<compile_context>
chip_gen: v7x
topology: tpu7x:2x2x1
jax: 0.10.2.dev20260603
libtpu: 0.0.44.dev20260713+nightly
codegen_flags: <defaults>
</compile_context>

<pallas_src>
import jax
import jax.numpy as jnp
from jax.experimental import pallas as pl


def _softmax_body(x_ref, o_ref):
    x = x_ref[...]
    m = jnp.max(x, axis=-1, keepdims=True)
    e = jnp.exp(x - m)
    s = jnp.sum(e, axis=-1, keepdims=True)
    o_ref[...] = e / s


def kernel(pred_obj_logits, pred_verb_logits, pred_sub_boxes, pred_obj_boxes, target_sizes):
    K = 100
    B, Q, C = pred_obj_logits.shape
    V = pred_verb_logits.shape[-1]
    CP = 128
    x = jnp.pad(pred_obj_logits, ((0, 0), (0, 0), (0, CP - C)), constant_values=-1e30)

    probs = pl.pallas_call(
        _softmax_body,
        grid=(B,),
        in_specs=[pl.BlockSpec((1, Q, CP), lambda b: (b, 0, 0))],
        out_specs=pl.BlockSpec((1, Q, CP), lambda b: (b, 0, 0)),
        out_shape=jax.ShapeDtypeStruct((B, Q, CP), jnp.float32),
    )(x)

    obj_prob = probs[:, :, :C]
    verb_scores = jax.nn.sigmoid(pred_verb_logits)
    flat = obj_prob.reshape(B, -1)
    topk_values, topk_indexes = jax.lax.top_k(flat, K)
    obj_scores = topk_values
    topk_boxes = topk_indexes // C
    obj_labels = topk_indexes % C
    vs = jnp.take_along_axis(
        verb_scores, jnp.broadcast_to(topk_boxes[:, :, None], (B, K, V)), axis=1)
    out_obj_boxes = jnp.take_along_axis(
        pred_obj_boxes, jnp.broadcast_to(topk_boxes[:, :, None], (B, K, 4)), axis=1)
    out_sub_boxes = jnp.take_along_axis(
        pred_sub_boxes, jnp.broadcast_to(topk_boxes[:, :, None], (B, K, 4)), axis=1)
    img_h = target_sizes[:, 0].astype(jnp.float32)
    img_w = target_sizes[:, 1].astype(jnp.float32)
    scale_fct = jnp.stack([img_w, img_h, img_w, img_h], axis=1)

    def box_cxcywh_to_xyxy(b):
        cx, cy, w, h = b[..., 0], b[..., 1], b[..., 2], b[..., 3]
        return jnp.stack([cx - 0.5 * w, cy - 0.5 * h, cx + 0.5 * w, cy + 0.5 * h], axis=-1)

    sub_boxes = box_cxcywh_to_xyxy(out_sub_boxes) * scale_fct[:, None, :]
    obj_boxes = box_cxcywh_to_xyxy(out_obj_boxes) * scale_fct[:, None, :]
    sl = jnp.full_like(obj_labels, 0)
    labels = jnp.concatenate([sl, obj_labels], axis=1)
    boxes = jnp.concatenate([sub_boxes, obj_boxes], axis=1)
    verb_scores_out = vs * obj_scores[:, :, None]
    ids = jnp.arange(2 * K, dtype=jnp.int32)
    return (labels, boxes, verb_scores_out, ids[:K], ids[K:])

# --- scband reference (transcript-rebuilt; emitter-appended) ---
"""Pipeline reference for scband-post-process-hoi-30717606101639 (READ-ONLY COPY).

The authoritative reference and input builder live on the scoring server;
editing this copy changes nothing except your own understanding.
"""

import jax, jax.numpy as jnp
import numpy as np


def box_cxcywh_to_xyxy(b):
    cx, cy, w, h = b[..., 0], b[..., 1], b[..., 2], b[..., 3]
    return jnp.stack([cx - 0.5 * w, cy - 0.5 * h, cx + 0.5 * w, cy + 0.5 * h], axis=-1)


def setup_inputs(seed: int = 0) -> dict:
    key = jax.random.key(seed)
    k1, k2, k3, k4, k5 = jax.random.split(key, 5)
    B, Q, C, V = 64, 900, 81, 117
    return {
        "pred_obj_logits": jax.random.normal(k1, (B, Q, C), dtype=jnp.float32),
        "pred_verb_logits": jax.random.normal(k2, (B, Q, V), dtype=jnp.float32),
        "pred_sub_boxes": jax.random.uniform(k3, (B, Q, 4), dtype=jnp.float32),
        "pred_obj_boxes": jax.random.uniform(k4, (B, Q, 4), dtype=jnp.float32),
        "target_sizes": jax.random.randint(k5, (64, 2), 0, 1333, dtype=jnp.int32),
    }


def reference(pred_obj_logits, pred_verb_logits, pred_sub_boxes, pred_obj_boxes, target_sizes):
    subject_category_id = 0
    K = 100
    obj_prob = jax.nn.softmax(pred_obj_logits, axis=-1)
    verb_scores = jax.nn.sigmoid(pred_verb_logits)
    B = obj_prob.shape[0]
    num_obj_classes = obj_prob.shape[-1]  # no_obj=False -> use all classes
    num_verb_classes = verb_scores.shape[-1]
    flat = obj_prob.reshape(B, -1)
    topk_values, topk_indexes = jax.lax.top_k(flat, K)
    obj_scores = topk_values
    topk_boxes = topk_indexes // num_obj_classes
    obj_labels = topk_indexes % num_obj_classes
    vs = jnp.take_along_axis(
        verb_scores, jnp.broadcast_to(topk_boxes[:, :, None], (B, K, num_verb_classes)), axis=1)
    out_obj_boxes = jnp.take_along_axis(
        pred_obj_boxes, jnp.broadcast_to(topk_boxes[:, :, None], (B, K, 4)), axis=1)
    out_sub_boxes = jnp.take_along_axis(
        pred_sub_boxes, jnp.broadcast_to(topk_boxes[:, :, None], (B, K, 4)), axis=1)
    img_h = target_sizes[:, 0].astype(jnp.float32)
    img_w = target_sizes[:, 1].astype(jnp.float32)
    scale_fct = jnp.stack([img_w, img_h, img_w, img_h], axis=1)
    sub_boxes = box_cxcywh_to_xyxy(out_sub_boxes) * scale_fct[:, None, :]
    obj_boxes = box_cxcywh_to_xyxy(out_obj_boxes) * scale_fct[:, None, :]
    sl = jnp.full_like(obj_labels, subject_category_id)
    labels = jnp.concatenate([sl, obj_labels], axis=1)          # [B, 2K]
    boxes = jnp.concatenate([sub_boxes, obj_boxes], axis=1)     # [B, 2K, 4]
    verb_scores_out = vs * obj_scores[:, :, None]               # [B, K, V]
    ids = jnp.arange(2 * K, dtype=jnp.int32)
    sub_ids = ids[: K]
    obj_ids = ids[K:]
    return (labels, boxes, verb_scores_out, sub_ids, obj_ids)

if __name__ == "__main__":
    import jax
    _d = setup_inputs()
    print(jax.jit(kernel)(*tuple(_d.values())))

</pallas_src>

<mosaic_0001>
module attributes {stable_mosaic.version = 14 : i64} {
  func.func @_softmax_body(%arg0: i32, %arg1: memref<1x900x128xf32, #tpu.memory_space<vmem>>, %arg2: memref<1x900x128xf32, #tpu.memory_space<vmem>>) attributes {dimension_semantics = [#tpu.dimension_semantics<arbitrary>], iteration_bounds = array<i64: 64>, scalar_prefetch = 0 : i64, scratch_operands = 0 : i64, tpu.core_type = #tpu.core_type<tc>, window_params = [{transform_indices = @transform_0, window_bounds = array<i64: 1, 900, 128>}, {transform_indices = @transform_1, window_bounds = array<i64: 1, 900, 128>}]} {
    %get3A = arith.constant 0 : index
    %get3A_0 = arith.constant 0 : index
    %get3A_1 = arith.constant 0 : index
    %get3A_2 = vector.load %arg1[%get3A, %get3A_0, %get3A_1] : memref<1x900x128xf32, #tpu.memory_space<vmem>>, vector<1x900x128xf32>
    %reduce_max3A = arith.constant dense<0xFF800000> : vector<1x900xf32>
    %reduce_max3A_3 = vector.multi_reduction <maximumf>, %get3A_2, %reduce_max3A [2] : vector<1x900x128xf32> to vector<1x900xf32>
    %broadcast_in_dim3A = vector.shape_cast %reduce_max3A_3 : vector<1x900xf32> to vector<1x900x1xf32>
    %sub3A = vector.broadcast %broadcast_in_dim3A : vector<1x900x1xf32> to vector<1x900x128xf32>
    %sub3A_4 = arith.subf %get3A_2, %sub3A : vector<1x900x128xf32>
    %exp3A = math.exp %sub3A_4 : vector<1x900x128xf32>
    %reduce_sum3A = arith.constant dense<0.000000e+00> : vector<1x900xf32>
    %reduce_sum3A_5 = vector.multi_reduction <add>, %exp3A, %reduce_sum3A [2] : vector<1x900x128xf32> to vector<1x900xf32>
    %broadcast_in_dim3A_6 = vector.shape_cast %reduce_sum3A_5 : vector<1x900xf32> to vector<1x900x1xf32>
    %div3A = vector.broadcast %broadcast_in_dim3A_6 : vector<1x900x1xf32> to vector<1x900x128xf32>
    %div3A_7 = arith.divf %exp3A, %div3A : vector<1x900x128xf32>
    %swap3A = arith.constant 0 : index
    %swap3A_8 = arith.constant 0 : index
    %swap3A_9 = arith.constant 0 : index
    %swap3A_10 = vector.load %arg2[%swap3A, %swap3A_8, %swap3A_9] : memref<1x900x128xf32, #tpu.memory_space<vmem>>, vector<1x900x128xf32>
    tpu.vector_store %arg2[%swap3A, %swap3A_8, %swap3A_9], %div3A_7 {strides = array<i32>} : memref<1x900x128xf32, #tpu.memory_space<vmem>>, vector<1x900x128xf32>,
    return
  }
  func.func @transform_0(%arg0: i32) -> (i32, i32, i32) {
    %c0_i32 = arith.constant 0 : i32
    %c0_i32_0 = arith.constant 0 : i32
    %c0_i32_1 = arith.constant 0 : i32
    return %arg0, %c0_i32, %c0_i32_0 : i32, i32, i32
  }
  func.func @transform_1(%arg0: i32) -> (i32, i32, i32) {
    %c0_i32 = arith.constant 0 : i32
    %c0_i32_0 = arith.constant 0 : i32
    %c0_i32_1 = arith.constant 0 : i32
    return %arg0, %c0_i32, %c0_i32_0 : i32, i32, i32
  }
}

</mosaic_0001>

<sc_bundles>
// kernel: gather_offload_async_start.1
scs
__scs_entry_jumppad:
0x0: {  	(pc) =	sbr.rel $0x88, $3  }
0x1: {  	(tag) =	ssettag $0x0;
	lr =	simm.s32 $0x1  }
0x2: {  	[smem:$0x3F9C] =	sst lr;
	_ =	strace $0xD0000000  }
0x3: {  	_ = 	snop  }
0x4: {  	_ = 	snop  }
0x5: {  	_ = 	snop  }
0x6: {  	_ = 	snop  }
0x7: {  	_ = 	snop  }
__scs_overlays_trampoline_lowered:
0x8: {  	[smem:$0x3FAB] =	sst s0  }
0x9: {  	[smem:$0x3FAC] =	sst s1  }
0xa: {  	[smem:$0x3FAD] =	sst s2  }
0xb: {  	[smem:$0x3FAE] =	sst s3  }
0xc: {  	[smem:$0x3FAF] =	sst s4  }
0xd: {  	[smem:$0x3FB0] =	sst s5  }
0xe: {  	[smem:$0x3FB1] =	sst s6  }
0xf: {  	[smem:$0x3FB2] =	sst s7  }
0x10: {  	[smem:$0x3FB3] =	sst s8  }
0x11: {  	[smem:$0x3FB4] =	sst s9;
	s0 =	simm.s32 @!p0 $0x0  }
0x12: {  	s1 =	sld [smem:$0x3F9A];
	s0 =	simm.s32 @p0 $0x1  }
0x13: {  	[smem:$0x3FB5] =	sst s0;
	s0 =	simm.s32 @!p1 $0x0  }
0x14: {  	s2 =	sld [smem:$0x3F99];
	s0 =	simm.s32 @p1 $0x1  }
0x15: {  	[smem:$0x3FB6] =	sst s0;
	s0 =	simm.s32 @!p2 $0x0  }
0x16: {  	s3 =	sld [smem:$0x3FDB];
	s0 =	simm.s32 @p2 $0x1  }
0x17: {  	s4 =	simm.s32 $0x1BF5;
	[smem:$0x3FB8] =	sst s0  }
0x18: {  	s0 =	sld [smem:$0x3F9B];
	_ =	swait.ge [sflag:s4], $0x0  }
0x19: {  	s7 =	sld [smem:$0x3F9C]  }
0x1a: {  	s8 =	sadd.s32 $0xFFFFE003, lr  }
0x1b: {  	s9 =	sadd.s32 $0xFFFFFEF7, lr;
	s5 =	simm.s32 $0xFFFFFFFF;
	p2 =	slt.u32 s8, $0xFFFFF086  }
0x1c: {  	p1 =	slt.u32 s9, $0xF7A;
	s5 =	simm.s32 @!p2 $0x0  }
0x1d: {  	s5 =	simm.s32 @p1 $0x1;
	p0 =	seq.s32 s7, s2  }
0x1e: {  	s7 =	smul.u32 @!p0 $0xF7A, s2;
	p2 =	seq.s32 @!p0 s5, $0x0  }
0x1f: {  	s9 =	smul.u32 $0xF7A, s1;
	s8 =	simm.s32 @!p0 $0x1BF5;
	p2 =	por !p2, p0  }
0x20: {  	[sflag:s8] =	ssyncset.s32 @!p0 $0xFFFFF086;
	s6 =	sadd.s32 @!p0 s3, s7;
	s7 =	simm.s32 @!p0 $0x108  }
0x21: {  	s3 =	sadd.s32 s3, s9;
	s6 =	sadd.s32 @!p0 $0x88, s6;
	s7 =	simm.s32 @p2 $0x1082  }
0x22: {  	[simem:s7], [sflag:s8] =	dma.local @!p0 [hbm:s6], $0xF7A  }
0x23: {  	s9 =	sor.u32 $0xD0000000, s2;
	s6 =	simm.s32 $0x108;
	_ =	swait.ge @!p0 [sflag:s8], $0x0  }
0x24: {  	s3 =	sadd.s32 $0x88, s3;
	s6 =	simm.s32 @!p1 $0x1082;
	[sflag:s4] =	ssyncset.s32 $0xFFFFF086  }
0x25: {  	[simem:s6], [sflag:s4] =	dma.local [hbm:s3], $0xF7A  }
0x26: {  	[smem:$0x3F9C] =	sst s1;
	(tag) =	ssettag s2;
	_ =	strace s9  }
0x27: {  	s1 =	sld [smem:$0x3FAC]  }
0x28: {  	s2 =	sld [smem:$0x3FAD]  }
0x29: {  	s4 =	sld [smem:$0x3FAF]  }
0x2a: {  	p0 =	seq.s32 s5, $0x0;
	s5 =	sld [smem:$0x3FB0]  }
0x2b: {  	s6 =	sld [smem:$0x3FB1]  }
0x2c: {  	s7 =	sld [smem:$0x3FB2]  }
0x2d: {  	s3 =	simm.s32 $0x108;
	s8 =	sld [smem:$0x3FB3]  }
0x2e: {  	s3 =	simm.s32 @!p0 $0x1082;
	s9 =	sld [smem:$0x3FB4]  }
0x2f: {  	lr =	sadd.s32 s0, s3;
	s0 =	sld [smem:$0x3FAB]  }
0x30: {  	s3 =	sld [smem:$0x3FAE]  }
0x31: {  	[smem:$0x3FB7] =	sst s10  }
0x32: {  	s10 =	sld [smem:$0x3FB5];
	_ =	sdelay $0x3  }
0x33: {  	p0 =	seq.s32 s10, $0x1;
	s10 =	sld [smem:$0x3FB7];
	_ =	sdelay $0x3  }
0x34: {  	[smem:$0x3FB7] =	sst s10  }
0x35: {  	s10 =	sld [smem:$0x3FB6];
	_ =	sdelay $0x3  }
0x36: {  	p1 =	seq.s32 s10, $0x1;
	s10 =	sld [smem:$0x3FB7];
	_ =	sdelay $0x3  }
0x37: {  	[smem:$0x3FB7] =	sst s10  }
0x38: {  	s10 =	sld [smem:$0x3FB8]  }
0x39: {  	_ = 	snop;
	(pc) =	sbr.ind lr, $3  }
0x3a: {  	_ = 	snop  }
0x3b: {  	_ = 	snop  }
0x3c: {  	p2 =	seq.s32 s10, $0x1;
	s10 =	sld [smem:$0x3FB7]  }
0x3d: {  	_ =	shalt  }
0x3e: {  	_ =	shalt  }
0x3f: {  	_ =	shalt  }
0x40: {  	_ =	shalt  }
0x41: {  	_ =	shalt  }
0x42: {  	_ =	shalt  }
0x43: {  	_ =	shalt  }
0x44: {  	_ =	shalt  }
0x45: {  	_ =	shalt  }
0x46: {  	_ =	shalt  }
0x47: {  	_ =	shalt  }
0x48: {  	_ =	shalt  }
0x49: {  	_ =	shalt  }
0x4a: {  	_ =	shalt  }
0x4b: {  	_ =	shalt  }
0x4c: {  	_ =	shalt  }
0x4d: {  	_ =	shalt  }
0x4e: {  	_ =	shalt  }
0x4f: {  	_ =	shalt  }
0x50: {  	_ =	shalt  }
0x51: {  	_ =	shalt  }
0x52: {  	_ =	shalt  }
0x53: {  	_ =	shalt  }
0x54: {  	_ =	shalt  }
0x55: {  	_ =	shalt  }
0x56: {  	_ =	shalt  }
0x57: {  	_ =	shalt  }
0x58: {  	_ =	shalt  }
0x59: {  	_ =	shalt  }
0x5a: {  	_ =	shalt  }
0x5b: {  	_ =	shalt  }
0x5c: {  	_ =	shalt  }
0x5d: {  	_ =	shalt  }
0x5e: {  	_ =	shalt  }
0x5f: {  	_ =	shalt  }
0x60: {  	_ =	shalt  }
0x61: {  	_ =	shalt  }
0x62: {  	_ =	shalt  }
0x63: {  	_ =	shalt  }
0x64: {  	_ =	shalt  }
0x65: {  	_ =	shalt  }
0x66: {  	_ =	shalt  }
0x67: {  	_ =	shalt  }
0x68: {  	_ =	shalt  }
0x69: {  	_ =	shalt  }
0x6a: {  	_ =	shalt  }
0x6b: {  	_ =	shalt  }
0x6c: {  	_ =	shalt  }
0x6d: {  	_ =	shalt  }
0x6e: {  	_ =	shalt  }
0x6f: {  	_ =	shalt  }
0x70: {  	_ =	shalt  }
0x71: {  	_ =	shalt  }
0x72: {  	_ =	shalt  }
0x73: {  	_ =	shalt  }
0x74: {  	_ =	shalt  }
0x75: {  	_ =	shalt  }
0x76: {  	_ =	shalt  }
0x77: {  	_ =	shalt  }
0x78: {  	_ =	shalt  }
0x79: {  	_ =	shalt  }
0x7a: {  	_ =	shalt  }
0x7b: {  	_ =	shalt  }
0x7c: {  	_ =	shalt  }
0x7d: {  	_ =	shalt  }
0x7e: {  	_ =	shalt  }
0x7f: {  	_ =	shalt  }
0x80: {  	_ =	shalt  }
0x81: {  	_ =	shalt  }
0x82: {  	_ =	shalt  }
0x83: {  	_ =	shalt  }
0x84: {  	_ =	shalt  }
0x85: {  	_ =	shalt  }
0x86: {  	_ =	shalt  }
0x87: {  	_ =	shalt  }
.Lfunc_end0:
.L_simem_size_0:
called_computation.1_lowered:
.L_overlay_start_0:
0x88: {  	s2 =	sld [smem:$0x3FD9]  }
0x89: {  	s3 =	sld [smem:$0x3FFE];
	_ =	sdelay $0x1  }
0x8a: {  	s1 =	srdreg.scid  }
0x8b: {  	s0 =	sand.u32 $0x1, s1  }
0x8c: {  	s14 =	sshll.u32 s0, $0xA;
	s2 =	sadd.s32 s3, s2  }
0x8d: {  	s2 =	sadd.s32 s2, s14  }
0x8e: {  	[smem:$0x3FC3] =	sst s2  }
0x8f: {  	_ = 	snop  }
0x90: {  	s2 =	sld [smem:$0x3FD0];
	_ =	sdelay $0x2  }
0x91: {  	s4 =	simm.s32 $0xA;
	s5 =	simm.s32 $0x10;
	s15 =	sld [smem:$0x3FC7]  }
0x92: {  	[smem:s5], [sflag:s4] =	dma.local [hbm:s2], $0x1  }
0x93: {  	_ =	swait.eq [sflag:s4], $0x1  }
0x94: {  	[sflag:s4] =	ssyncset.done $0x0  }
0x95: {  	[sflag:s4] =	ssyncadd.s32 $0xFFFFFFFF  }
0x96: {  	s16 =	sld [smem:$0x11];
	(tm) =	ssettm $0x1  }
0x97: {  	s17 =	sld [smem:$0x3FFB];
	_ =	sdelay $0x3  }
0x98: {  	_ =	strace s17  }
0x99: {  	s4 =	sld [smem:$0x3FFC];
	_ =	sdelay $0x3  }
0x9a: {  	_ =	strace s4  }
0x9b: {  	s4 =	sld [smem:$0x3FFD];
	_ =	sdelay $0x3  }
0x9c: {  	_ =	strace s4  }
0x9d: {  	_ =	strace $0x8FFFFFFF  }
0x9e: {  	s18 =	sld [smem:$0x3FDB];
	_ =	sdelay $0x1  }
0x9f: {  	s19 =	simm.s32 $_scs_section_size  }
0xa0: {  	s6 =	simm.s32 $_size__tile_overlayer_lowered;
	s7 =	simm.s32 $_tile_overlayer_lowered  }
0xa1: {  	s22 =	simm.s32 $0x1BFF;
	s21 =	sshll.u32 s7, $0x1;
	s4 =	sadd.s32 s19, s18  }
0xa2: {  	s8 =	simm.s32 $0x0;
	s20 =	sshll.u32 s6, $0x1;
	s6 =	sadd.s32 s21, s4  }
0xa3: {  	[timem:s8], [sflag:s22] =	dma.local [hbm:s6], s20  }
0xa4: {  	_ =	swait.ge [sflag:s22], s20  }
0xa5: {  	s5 =	ssub.s32 $0x0, s20;
	[sflag:s22] =	ssyncset.done $0x0  }
0xa6: {  	[sflag:s22] =	ssyncadd.s32 s5;
	_ =	sdelay $0x1  }
0xa7: {  	s23 =	simm.s32 $0x1B8B  }
0xa8: {  	_ =	swait.ge [sflag:s23], $0x1  }
0xa9: {  	[sflag:s23] =	ssyncset.done $0x0  }
0xaa: {  	s25 =	simm.s32 $0x1B8E;
	s24 =	sld [smem:$0x3FFE];
	[sflag:s23] =	ssyncadd.s32 $0xFFFFFFFF  }
0xab: {  	s26 =	simm.s32 $execute0_lowered;
	[smem:$0x3FD2] =	sst s25  }
0xac: {  	s6 =	sshll.u32 s26, $0x1;
	_ =	strace $0x80000046;
	[dreg:$0x1] =	wrdreg $0xFFFFFFFF  }
0xad: {  	s28 =	simm.s32 $_size_execute0_lowered;
	s4 =	sadd.s32 s4, s6;
	[dreg:$0x0] =	wrdreg $0x0  }
0xae: {  	s6 =	sshll.u32 s28, $0x1;
	[dreg:$0x2] =	wrdreg s4  }
0xaf: {  	[dreg:$0x3] =	wrdreg s6  }
0xb0: {  	[dreg:$0x4] =	wrdreg $0xC0  }
0xb1: {  	_ =	task [dreg:s8], $0x5FFFF  }
0xb2: {  	[dreg:$0x1] =	wrdreg $0xFFFFFFFF  }
0xb3: {  	[dreg:$0x0] =	wrdreg $0x60  }
0xb4: {  	[dreg:$0x2] =	wrdreg s15  }
0xb5: {  	[dreg:$0x3] =	wrdreg s16  }
0xb6: {  	[dreg:$0x4] =	wrdreg s24  }
0xb7: {  	[dreg:$0x5] =	wrdreg $0x9  }
0xb8: {  	_ =	task.clear_ibuf [dreg:s8], $0x6FFFF;
	_ =	strace $0x90000046  }
0xb9: {  	s29 =	simm.s32 $0x9;
	_ =	strace $0x80000048  }
0xba: {  	_ =	swait.ge [sflag:s29], $0x1  }
0xbb: {  	[sflag:s29] =	ssyncadd.s32 $0xFFFFFFFF  }
0xbc: {  	_ =	strace $0x90000048  }
0xbd: {  	_ =	sfence  }
0xbe: {  	s30 =	sld [smem:$0x0];
	_ =	sdelay $0x2  }
0xbf: {  	s31 =	sshll.u32 s1, $0xD;
	s1 =	sshrl.u32 s1, $0x2  }
0xc0: {  	s3 =	sand.u32 $0x4000, s31;
	s1 =	sadd.s32 s1, s30  }
0xc1: {  	s0 =	sor.u32 s3, s0;
	s1 =	sshll.u32 s1, $0x11  }
0xc2: {  	s0 =	sor.u32 s1, s0  }
0xc3: {  	s0 =	sadd.s32 $0x8F2B, s0  }
0xc4: {  	[sflag:s0] =	ssyncadd.remote.s32 $0x1  }
0xc5: {  	_ =	sfence.sel $0xFFFF  }
0xc6: {  	[dreg:$0x0] =	wrdreg $0xFFFFFFFF;
	(pc) =	sbr.abs _section_cstart, $3  }
0xc7: {  	[dreg:$0x1] =	wrdreg $0xFFFFFFFF  }
0xc8: {  	_ =	task.clear_ibuf [dreg:s8], $0x2FFFF;
	_ =	strace $0x9FFFFFFF  }
0xc9: {  	(tm) =	ssettm $0x7FFFFFFF  }
tec
execute0_lowered:
.L_overlay_start_1:
0x0: {  	(tag) =	ssettag $0x1  }
0x1: {  	s2 =	rddreg [dreg:$0x0]  }
0x2: {  	s3 =	rddreg [dreg:$0x1]  }
0x3: {  	s0 =	stileid.u32;
	s1 =	srdreg.scid  }
0x4: {  	s8 =	rddreg [dreg:$0x2];
	s9 =	simm.s32 $0x1;
	s10 =	simm.s32 $0x3  }
0x5: {  	s13 =	simm.s32 $0x0;
	s4 =	sand.u32 $0x1, s1;
	s5 =	sshll.u32 s0, $0x1  }
0x6: {  	s12 =	simm.s32 $0x0;
	s1 =	rddreg [dreg:$0x3];
	s6 =	sor.u32 s5, s4  }
0x7: {  	_ =	strace $0x80000047;
	s8 =	sadd.s32 $0xE3C00, s8;
	s4 =	smul.u32 $0x280, s6  }
0x8: {  	s5 =	simm.s32 $0x1;
	p0 =	slt.u32 s6, $0x9;
	s6 =	simm.s32 $0x5000  }
.Ltmp0:
0x9: {  	s6 =	simm.s32 @!p0 $0x0;
	s7 =	ssub.s32 $0x6400, s4;
	(pc) =	sbr.rel .LBB2_1-.Ltmp0, $4  }
0xa: {  	s9 =	simm.s32 @!p0 $0x0;
	p0 =	sne.s32 s7, s6;
	s7 =	simm.s32 $0x1  }
0xb: {  	[sflag:s5] =	ssyncpa.u1 $0x0;
	s6 =	simm.s32 $0x2;
	s7 =	simm.s32 @!p0 $0x0  }
0xc: {  	s11 =	smov.u32 s4;
	[sflag:s6] =	ssyncpa.u1 $0x0;
	s7 =	sadd.s32 s9, s7  }
0xd: {  	vm0 =	vmmov $0xffff;
	[sflag:s10] =	ssyncpa.u1 $0x0;
	s10 =	simm.s32 $0x0;
	s9 =	sadd.s32 $0x1, s7  }
.LBB2_4:
0xe: {  	v2 =	vand.u32 $0x3, v2;
	v3 =	vshrl.u32 v0, $0x8;
	v63 =	vshll.u32 v0, $0xC  }
0xf: {  	v2 =	vsel vm1, $0xFFFFFFFF, v2;
	v3 =	vand.u32 $0x3FF, v3;
	v0 =	vand.u32 $0x3F000, v63  }
0x10: {  	v3 =	vsel vm1, $0xFFFFFFFF, v3;
	v0 =	vsel vm1, $0xFFFFF000, v0;
	v4 =	vand.u32 $0xFFFFF000, v2  }
0x11: {  	v5 =	vand.u32 $0x7F, v3;
	v0 =	vadd.s32 v0, v4;
	v3 =	vshll.u32 v3, $0x2  }
0x12: {  	v2 =	vshll.u32 v2, $0x7;
	v3 =	vand.u32 $0xFFFFFE00, v3;
	v0 =	vor.u32 v5, v0  }
0x13: {  	v2 =	vand.u32 $0x180, v2;
	v0 =	vadd.s32 v3, v0  }
0x14: {  	v0 =	vor.u32 v2, v0;
	_ =	sdelay $0x1  }
0x15: {  	(ifvalue) =	ssetifvalue $0x7FFFFFFF;
	s15 =	sadd.s32 $0x10, s15  }
0x16: {  	[tilespmem:s15], [sflag:$0x1] =	stream.indirect_vreg.gather [hbm4b:s2+s10], $0x1, v1, vm0, $0x4038;
	[tilespmem:$0xA00] =	vst v63  }
0x17: {  	(ifvalue) =	ssetifvalue $0x7FFFFFFF;
	s15 =	sadd.s32 $0x10, s15  }
0x18: {  	[tilespmem:s15], [sflag:$0x1] =	stream.indirect_vreg.gather [hbm4b:s2+s10], $0x1, v0, vm0, $0x4038;
	[tilespmem:$0xA00] =	vst v63  }
0x19: {  	_ =	swait.ge [sflag:s5], $0x280  }
0x1a: {  	s30 =	sshrl.u32 s13, $0x3;
	[sflag:s5] =	ssyncset.done $0x0  }
0x1b: {  	s31 =	sand.u32 $0x7, s13;
	s15 =	sadd.s32 s8, s30;
	[sflag:s5] =	ssyncadd.s32 $0xFFFFFD80  }
0x1c: {  	[hbm4b:s15+s31] =	stream.linear.scatter [tilespmem:s14], [sflag:$0x3], $0x280, $0x38;
	[tilespmem:$0xA00] =	vst v63  }
.LBB2_5:
0x1d: {  	s15 =	sadd.s32 $0x5000, s11  }
0x1e: {  	p1 =	sgt.s32 s15, $0x63FF  }
0x1f: {  	s15 =	smov.u32 @p1 s4;
	p1 =	sne.s32 s12, s9  }
.Ltmp1:
0x20: {  	p0 =	slt.u32 s12, $0x2;
	(pc) =	sbr.rel @!p1 .LBB2_6-.Ltmp1, $4  }
0x21: {  	s14 =	simm.s32 @!p0 $0x3  }
0x22: {  	_ =	swait.ge @!p0 [sflag:s14], $0x280  }
0x23: {  	s16 =	sadd.s32 $0x1, s12;
	s13 =	smov.u32 s11;
	[sflag:s14] =	ssyncset.done @!p0 $0x0  }
0x24: {  	s12 =	smov.u32 s16;
	s11 =	smov.u32 s15;
	[sflag:s14] =	ssyncadd.s32 @!p0 $0xFFFFFD80  }
.LBB2_1:
0x25: {  	p0 =	sge.u32 s12, s7  }
0x26: {  	s14 =	sxor.u32 @!p0 $0x1, s12  }
0x27: {  	s14 =	smul.u32 @!p0 $0xA00, s14  }
0x28: {  	s31 =	sadd.s32 $0xFFFFFFFF, s12;
	s15 =	sshrl.u32 @!p0 s11, $0x3  }
0x29: {  	s16 =	sand.u32 @!p0 $0x7, s11;
	s15 =	sadd.s32 @!p0 s3, s15;
	s14 =	sshra.s32 @!p0 s14, $0x2  }
0x2a: {  	[tilespmem:s14], [sflag:$0x2] =	stream.linear.gather @!p0 [hbm4b:s15+s16], $0x280, $0x38;
	[tilespmem:$0xA00] =	vst v63  }
0x2b: {  	p0 =	sge.u32 s31, s7  }
.Ltmp2:
0x2c: {  	_ = 	snop;
	(pc) =	sbr.rel @p0 .LBB2_5-.Ltmp2, $1  }
0x2d: {  	_ =	sdelay $0x3  }
0x2e: {  	s14 =	sand.u32 $0x1, s12  }
0x2f: {  	_ =	swait.ge [sflag:s6], $0x280;
	p0 =	seq.s32 s14, $0x1;
	s14 =	simm.s32 $0x280  }
0x30: {  	[sflag:s6] =	ssyncset.done $0x0;
	s14 =	simm.s32 @!p0 $0x0  }
0x31: {  	[sflag:s6] =	ssyncadd.s32 $0xFFFFFD80;
	(ifvalue) =	ssetifvalue $0x7FFFFFFF;
	v0 =	vld.msk [tilespmem:s14+$0x0 ss:$0x1], $0xffff;
	_ =	sdelay $0x1  }
0x32: {  	s15 =	sadd.s32 $0x10, s14  }
0x33: {  	v3 =	vld.msk [tilespmem:s15+$0x0 ss:$0x1], $0xffff;
	_ =	sdelay $0x1  }
0x34: {  	vm1 =	veq.s32 v0, $0x80000000  }
0x35: {  	v1 =	vshrl.u32 v0, $0x6;
	v2 =	vshrl.u32 v0, $0x8;
	v0 =	vshll.u32 v0, $0xC  }
0x36: {  	v1 =	vand.u32 $0x3, v1;
	v2 =	vand.u32 $0x3FF, v2;
	v0 =	vand.u32 $0x3F000, v0  }
0x37: {  	v62 =	vshrl.u32 v3, $0x8;
	v1 =	vsel vm1, $0xFFFFFFFF, v1;
	v2 =	vsel vm1, $0xFFFFFFFF, v2  }
0x38: {  	v0 =	vsel vm1, $0xFFFFF000, v0;
	vm1 =	veq.s32 v3, $0x80000000;
	v4 =	vand.u32 $0xFFFFF000, v1  }
0x39: {  	v5 =	vand.u32 $0x7F, v2;
	v2 =	vshll.u32 v2, $0x2;
	v0 =	vadd.s32 v0, v4  }
0x3a: {  	v1 =	vshll.u32 v1, $0x7;
	v2 =	vand.u32 $0xFFFFFE00, v2;
	v0 =	vor.u32 v5, v0  }
0x3b: {  	v1 =	vand.u32 $0x180, v1;
	v0 =	vadd.s32 v2, v0;
	v2 =	vshrl.u32 v3, $0x6  }
0x3c: {  	s15 =	sadd.s32 $0x10, s15;
	v3 =	vshll.u32 v3, $0xC;
	v1 =	vor.u32 v1, v0;
	v2 =	vand.u32 $0x3, v2  }
0x3d: {  	v4 =	vand.u32 $0x3FF, v62;
	v0 =	vld.msk [tilespmem:s15+$0x0 ss:$0x1], $0xffff;
	v3 =	vand.u32 $0x3F000, v3;
	v2 =	vsel vm1, $0xFFFFFFFF, v2  }
0x3e: {  	v4 =	vsel vm1, $0xFFFFFFFF, v4;
	v3 =	vsel vm1, $0xFFFFF000, v3;
	v63 =	vand.u32 $0xFFFFF000, v2  }
0x3f: {  	v6 =	vand.u32 $0x7F, v4;
	v4 =	vshll.u32 v4, $0x2;
	v3 =	vadd.s32 v3, v63  }
0x40: {  	s14 =	sor.u32 $0x500, s14;
	(ifvalue) =	ssetifvalue $0x7FFFFFFF;
	v4 =	vand.u32 $0xFFFFFE00, v4;
	v2 =	vshll.u32 v2, $0x7;
	v3 =	vor.u32 v6, v3  }
0x41: {  	[tilespmem:s14], [sflag:$0x1] =	stream.indirect_vreg.gather [hbm4b:s2+s10], $0x1, v1, vm0, $0x4038;
	v1 =	vand.u32 $0x180, v2;
	v3 =	vadd.s32 v4, v3;
	[tilespmem:$0xA00] =	vst v63  }
0x42: {  	s16 =	simm.s32 $0x20;
	s17 =	sadd.s32 $0x10, s15;
	s15 =	smov.u32 s14;
	vm1 =	veq.s32 v0, $0x80000000;
	v2 =	vshrl.u32 v0, $0x6;
	v1 =	vor.u32 v1, v3  }
.LBB2_3:
0x43: {  	s16 =	sadd.s32 $0x10, s16;
	v2 =	vand.u32 $0x3, v2;
	v3 =	vshrl.u32 v0, $0x8;
	v4 =	vshll.u32 v0, $0xC;
	v0 =	vld.msk [tilespmem:s17+$0x0 ss:$0x1], $0xffff  }
0x44: {  	p0 =	slt.u32 s16, $0x270;
	v2 =	vsel vm1, $0xFFFFFFFF, v2;
	v3 =	vand.u32 $0x3FF, v3;
	v4 =	vand.u32 $0x3F000, v4  }
.Ltmp3:
0x45: {  	v3 =	vsel vm1, $0xFFFFFFFF, v3;
	v4 =	vsel vm1, $0xFFFFF000, v4;
	v5 =	vand.u32 $0xFFFFF000, v2;
	(pc) =	sbr.rel @p0 .LBB2_3-.Ltmp3, $4  }
0x46: {  	s15 =	sadd.s32 $0x10, s15;
	v6 =	vand.u32 $0x7F, v3;
	v4 =	vadd.s32 v4, v5;
	v3 =	vshll.u32 v3, $0x2;
	(ifvalue) =	ssetifvalue $0x7FFFFFFF  }
0x47: {  	v2 =	vshll.u32 v2, $0x7;
	v3 =	vand.u32 $0xFFFFFE00, v3;
	v4 =	vor.u32 v6, v4;
	[tilespmem:s15], [sflag:$0x1] =	stream.indirect_vreg.gather [hbm4b:s2+s10], $0x1, v1, vm0, $0x4038;
	[tilespmem:$0xA00] =	vst v63  }
0x48: {  	v1 =	vand.u32 $0x180, v2;
	v3 =	vadd.s32 v3, v4  }
0x49: {  	s17 =	sadd.s32 $0x10, s17;
	vm1 =	veq.s32 v0, $0x80000000;
	v2 =	vshrl.u32 v0, $0x6;
	v1 =	vor.u32 v1, v3  }
.Ltmp4:
0x4a: {  	_ = 	snop;
	(pc) =	sbr.rel .LBB2_4-.Ltmp4, $1  }
0x4b: {  	_ =	sdelay $0x3  }
.LBB2_6:
0x4c: {  	_ =	sfence.sel $0x180000  }
0x4d: {  	s2 =	simm.s32 $0x2;
	[bflag:$0x0] =	sbarrier.arrive $0xFFFF  }
0x4e: {  	s30 =	simm.s32 $0x3;
	[sflag:s2] =	ssyncpa.u1 $0x1  }
0x4f: {  	s31 =	simm.s32 $0x1;
	[sflag:s30] =	ssyncpa.u1 $0x1  }
0x50: {  	[sflag:s31] =	ssyncpa.u1 $0x1  }
0x51: {  	p0 =	sne.s32 s0, $0x0;
	_ =	strace $0x90000047  }
0x52: {  	s0 =	sadd.s32 @!p0 $0x100000, s1;
	[bflag:$0x2] =	sbarrier.arrive $0xFFFF  }
0x53: {  	[sflag:s0] =	ssyncadd.tile.s32 @!p0 $0x1;
	_ =	shalt  }
.Lfunc_end2:
_tile_overlayer_lowered:
.L_overlay_start_2:
0x54: {  	(tag) =	ssettag $0x2  }
0x55: {  	s0 =	rddreg [dreg:$0x0];
	s2 =	stileid.u32  }
0x56: {  	s1 =	rddreg [dreg:$0x1];
	p0 =	sne.s32 s2, $0x0  }
0x57: {  	s3 =	rddreg [dreg:$0x2];
	[bflag:$0x3] =	sbarrier.arrive $0xFFFF;
	s2 =	simm.s32 @!p0 $0x1C01  }
0x58: {  	[timem:s3], [sflag:s2] =	dma.local @!p0 [hbm:s0], s1  }
0x59: {  	s0 =	simm.s32 @!p0 $0x1  }
0x5a: {  	_ =	swait.ge @!p0 [sflag:s0], s1  }
0x5b: {  	s1 =	ssub.s32 @!p0 $0x0, s1;
	[sflag:s0] =	ssyncset.done @!p0 $0x0  }
0x5c: {  	[sflag:s0] =	ssyncadd.s32 @!p0 s1  }
0x5d: {  	[bflag:$0x3] =	sbarrier.arrive $0xFFFF  }
0x5e: {  	_ =	shalt  }

// kernel: gather_offload_async_start.2
scs
__scs_entry_jumppad:
0x0: {  	(pc) =	sbr.rel $0x88, $3  }
0x1: {  	(tag) =	ssettag $0x0;
	lr =	simm.s32 $0x1  }
0x2: {  	[smem:$0x3F9C] =	sst lr;
	_ =	strace $0xD0000000  }
0x3: {  	_ = 	snop  }
0x4: {  	_ = 	snop  }
0x5: {  	_ = 	snop  }
0x6: {  	_ = 	snop  }
0x7: {  	_ = 	snop  }
__scs_overlays_trampoline_lowered:
0x8: {  	[smem:$0x3FAB] =	sst s0  }
0x9: {  	[smem:$0x3FAC] =	sst s1  }
0xa: {  	[smem:$0x3FAD] =	sst s2  }
0xb: {  	[smem:$0x3FAE] =	sst s3  }
0xc: {  	[smem:$0x3FAF] =	sst s4  }
0xd: {  	[smem:$0x3FB0] =	sst s5  }
0xe: {  	[smem:$0x3FB1] =	sst s6  }
0xf: {  	[smem:$0x3FB2] =	sst s7  }
0x10: {  	[smem:$0x3FB3] =	sst s8  }
0x11: {  	[smem:$0x3FB4] =	sst s9;
	s0 =	simm.s32 @!p0 $0x0  }
0x12: {  	s1 =	sld [smem:$0x3F9A];
	s0 =	simm.s32 @p0 $0x1  }
0x13: {  	[smem:$0x3FB5] =	sst s0;
	s0 =	simm.s32 @!p1 $0x0  }
0x14: {  	s2 =	sld [smem:$0x3F99];
	s0 =	simm.s32 @p1 $0x1  }
0x15: {  	[smem:$0x3FB6] =	sst s0;
	s0 =	simm.s32 @!p2 $0x0  }
0x16: {  	s3 =	sld [smem:$0x3FDB];
	s0 =	simm.s32 @p2 $0x1  }
0x17: {  	s4 =	simm.s32 $0x1BF5;
	[smem:$0x3FB8] =	sst s0  }
0x18: {  	s0 =	sld [smem:$0x3F9B];
	_ =	swait.ge [sflag:s4], $0x0  }
0x19: {  	s7 =	sld [smem:$0x3F9C]  }
0x1a: {  	s8 =	sadd.s32 $0xFFFFE003, lr  }
0x1b: {  	s9 =	sadd.s32 $0xFFFFFEF7, lr;
	s5 =	simm.s32 $0xFFFFFFFF;
	p2 =	slt.u32 s8, $0xFFFFF086  }
0x1c: {  	p1 =	slt.u32 s9, $0xF7A;
	s5 =	simm.s32 @!p2 $0x0  }
0x1d: {  	s5 =	simm.s32 @p1 $0x1;
	p0 =	seq.s32 s7, s2  }
0x1e: {  	s7 =	smul.u32 @!p0 $0xF7A, s2;
	p2 =	seq.s32 @!p0 s5, $0x0  }
0x1f: {  	s9 =	smul.u32 $0xF7A, s1;
	s8 =	simm.s32 @!p0 $0x1BF5;
	p2 =	por !p2, p0  }
0x20: {  	[sflag:s8] =	ssyncset.s32 @!p0 $0xFFFFF086;
	s6 =	sadd.s32 @!p0 s3, s7;
	s7 =	simm.s32 @!p0 $0x108  }
0x21: {  	s3 =	sadd.s32 s3, s9;
	s6 =	sadd.s32 @!p0 $0x88, s6;
	s7 =	simm.s32 @p2 $0x1082  }
0x22: {  	[simem:s7], [sflag:s8] =	dma.local @!p0 [hbm:s6], $0xF7A  }
0x23: {  	s9 =	sor.u32 $0xD0000000, s2;
	s6 =	simm.s32 $0x108;
	_ =	swait.ge @!p0 [sflag:s8], $0x0  }
0x24: {  	s3 =	sadd.s32 $0x88, s3;
	s6 =	simm.s32 @!p1 $0x1082;
	[sflag:s4] =	ssyncset.s32 $0xFFFFF086  }
0x25: {  	[simem:s6], [sflag:s4] =	dma.local [hbm:s3], $0xF7A  }
0x26: {  	[smem:$0x3F9C] =	sst s1;
	(tag) =	ssettag s2;
	_ =	strace s9  }
0x27: {  	s1 =	sld [smem:$0x3FAC]  }
0x28: {  	s2 =	sld [smem:$0x3FAD]  }
0x29: {  	s4 =	sld [smem:$0x3FAF]  }
0x2a: {  	p0 =	seq.s32 s5, $0x0;
	s5 =	sld [smem:$0x3FB0]  }
0x2b: {  	s6 =	sld [smem:$0x3FB1]  }
0x2c: {  	s7 =	sld [smem:$0x3FB2]  }
0x2d: {  	s3 =	simm.s32 $0x108;
	s8 =	sld [smem:$0x3FB3]  }
0x2e: {  	s3 =	simm.s32 @!p0 $0x1082;
	s9 =	sld [smem:$0x3FB4]  }
0x2f: {  	lr =	sadd.s32 s0, s3;
	s0 =	sld [smem:$0x3FAB]  }
0x30: {  	s3 =	sld [smem:$0x3FAE]  }
0x31: {  	[smem:$0x3FB7] =	sst s10  }
0x32: {  	s10 =	sld [smem:$0x3FB5];
	_ =	sdelay $0x3  }
0x33: {  	p0 =	seq.s32 s10, $0x1;
	s10 =	sld [smem:$0x3FB7];
	_ =	sdelay $0x3  }
0x34: {  	[smem:$0x3FB7] =	sst s10  }
0x35: {  	s10 =	sld [smem:$0x3FB6];
	_ =	sdelay $0x3  }
0x36: {  	p1 =	seq.s32 s10, $0x1;
	s10 =	sld [smem:$0x3FB7];
	_ =	sdelay $0x3  }
0x37: {  	[smem:$0x3FB7] =	sst s10  }
0x38: {  	s10 =	sld [smem:$0x3FB8]  }
0x39: {  	_ = 	snop;
	(pc) =	sbr.ind lr, $3  }
0x3a: {  	_ = 	snop  }
0x3b: {  	_ = 	snop  }
0x3c: {  	p2 =	seq.s32 s10, $0x1;
	s10 =	sld [smem:$0x3FB7]  }
0x3d: {  	_ =	shalt  }
0x3e: {  	_ =	shalt  }
0x3f: {  	_ =	shalt  }
0x40: {  	_ =	shalt  }
0x41: {  	_ =	shalt  }
0x42: {  	_ =	shalt  }
0x43: {  	_ =	shalt  }
0x44: {  	_ =	shalt  }
0x45: {  	_ =	shalt  }
0x46: {  	_ =	shalt  }
0x47: {  	_ =	shalt  }
0x48: {  	_ =	shalt  }
0x49: {  	_ =	shalt  }
0x4a: {  	_ =	shalt  }
0x4b: {  	_ =	shalt  }
0x4c: {  	_ =	shalt  }
0x4d: {  	_ =	shalt  }
0x4e: {  	_ =	shalt  }
0x4f: {  	_ =	shalt  }
0x50: {  	_ =	shalt  }
0x51: {  	_ =	shalt  }
0x52: {  	_ =	shalt  }
0x53: {  	_ =	shalt  }
0x54: {  	_ =	shalt  }
0x55: {  	_ =	shalt  }
0x56: {  	_ =	shalt  }
0x57: {  	_ =	shalt  }
0x58: {  	_ =	shalt  }
0x59: {  	_ =	shalt  }
0x5a: {  	_ =	shalt  }
0x5b: {  	_ =	shalt  }
0x5c: {  	_ =	shalt  }
0x5d: {  	_ =	shalt  }
0x5e: {  	_ =	shalt  }
0x5f: {  	_ =	shalt  }
0x60: {  	_ =	shalt  }
0x61: {  	_ =	shalt  }
0x62: {  	_ =	shalt  }
0x63: {  	_ =	shalt  }
0x64: {  	_ =	shalt  }
0x65: {  	_ =	shalt  }
0x66: {  	_ =	shalt  }
0x67: {  	_ =	shalt  }
0x68: {  	_ =	shalt  }
0x69: {  	_ =	shalt  }
0x6a: {  	_ =	shalt  }
0x6b: {  	_ =	shalt  }
0x6c: {  	_ =	shalt  }
0x6d: {  	_ =	shalt  }
0x6e: {  	_ =	shalt  }
0x6f: {  	_ =	shalt  }
0x70: {  	_ =	shalt  }
0x71: {  	_ =	shalt  }
0x72: {  	_ =	shalt  }
0x73: {  	_ =	shalt  }
0x74: {  	_ =	shalt  }
0x75: {  	_ =	shalt  }
0x76: {  	_ =	shalt  }
0x77: {  	_ =	shalt  }
0x78: {  	_ =	shalt  }
0x79: {  	_ =	shalt  }
0x7a: {  	_ =	shalt  }
0x7b: {  	_ =	shalt  }
0x7c: {  	_ =	shalt  }
0x7d: {  	_ =	shalt  }
0x7e: {  	_ =	shalt  }
0x7f: {  	_ =	shalt  }
0x80: {  	_ =	shalt  }
0x81: {  	_ =	shalt  }
0x82: {  	_ =	shalt  }
0x83: {  	_ =	shalt  }
0x84: {  	_ =	shalt  }
0x85: {  	_ =	shalt  }
0x86: {  	_ =	shalt  }
0x87: {  	_ =	shalt  }
.Lfunc_end0:
.L_simem_size_0:
called_computation.2_lowered:
.L_overlay_start_0:
0x88: {  	s2 =	sld [smem:$0x3FD9]  }
0x89: {  	s3 =	sld [smem:$0x3FFE];
	_ =	sdelay $0x1  }
0x8a: {  	s1 =	srdreg.scid  }
0x8b: {  	s0 =	sand.u32 $0x1, s1  }
0x8c: {  	s14 =	sshll.u32 s0, $0xA;
	s2 =	sadd.s32 s3, s2  }
0x8d: {  	s2 =	sadd.s32 s2, s14  }
0x8e: {  	[smem:$0x3FC3] =	sst s2  }
0x8f: {  	_ = 	snop  }
0x90: {  	s2 =	sld [smem:$0x3FD0];
	_ =	sdelay $0x2  }
0x91: {  	s4 =	simm.s32 $0xA;
	s5 =	simm.s32 $0x10;
	s15 =	sld [smem:$0x3FC6]  }
0x92: {  	[smem:s5], [sflag:s4] =	dma.local [hbm:s2], $0x1  }
0x93: {  	_ =	swait.eq [sflag:s4], $0x1  }
0x94: {  	[sflag:s4] =	ssyncset.done $0x0  }
0x95: {  	[sflag:s4] =	ssyncadd.s32 $0xFFFFFFFF  }
0x96: {  	s16 =	sld [smem:$0x11];
	(tm) =	ssettm $0x1  }
0x97: {  	s17 =	sld [smem:$0x3FFB];
	_ =	sdelay $0x3  }
0x98: {  	_ =	strace s17  }
0x99: {  	s4 =	sld [smem:$0x3FFC];
	_ =	sdelay $0x3  }
0x9a: {  	_ =	strace s4  }
0x9b: {  	s4 =	sld [smem:$0x3FFD];
	_ =	sdelay $0x3  }
0x9c: {  	_ =	strace s4  }
0x9d: {  	_ =	strace $0x8FFFFFFF  }
0x9e: {  	s18 =	sld [smem:$0x3FDB];
	_ =	sdelay $0x1  }
0x9f: {  	s19 =	simm.s32 $_scs_section_size  }
0xa0: {  	s6 =	simm.s32 $_size__tile_overlayer_lowered;
	s7 =	simm.s32 $_tile_overlayer_lowered  }
0xa1: {  	s22 =	simm.s32 $0x1BFF;
	s21 =	sshll.u32 s7, $0x1;
	s4 =	sadd.s32 s19, s18  }
0xa2: {  	s8 =	simm.s32 $0x0;
	s20 =	sshll.u32 s6, $0x1;
	s6 =	sadd.s32 s21, s4  }
0xa3: {  	[timem:s8], [sflag:s22] =	dma.local [hbm:s6], s20  }
0xa4: {  	_ =	swait.ge [sflag:s22], s20  }
0xa5: {  	s5 =	ssub.s32 $0x0, s20;
	[sflag:s22] =	ssyncset.done $0x0  }
0xa6: {  	[sflag:s22] =	ssyncadd.s32 s5;
	_ =	sdelay $0x1  }
0xa7: {  	s23 =	simm.s32 $0x1B8B  }
0xa8: {  	_ =	swait.ge [sflag:s23], $0x1  }
0xa9: {  	[sflag:s23] =	ssyncset.done $0x0  }
0xaa: {  	s25 =	simm.s32 $0x1B8E;
	s24 =	sld [smem:$0x3FFE];
	[sflag:s23] =	ssyncadd.s32 $0xFFFFFFFF  }
0xab: {  	s26 =	simm.s32 $execute0_lowered;
	[smem:$0x3FD2] =	sst s25  }
0xac: {  	s6 =	sshll.u32 s26, $0x1;
	_ =	strace $0x80000049;
	[dreg:$0x1] =	wrdreg $0xFFFFFFFF  }
0xad: {  	s28 =	simm.s32 $_size_execute0_lowered;
	s4 =	sadd.s32 s4, s6;
	[dreg:$0x0] =	wrdreg $0x0  }
0xae: {  	s6 =	sshll.u32 s28, $0x1;
	[dreg:$0x2] =	wrdreg s4  }
0xaf: {  	[dreg:$0x3] =	wrdreg s6  }
0xb0: {  	[dreg:$0x4] =	wrdreg $0xC0  }
0xb1: {  	_ =	task [dreg:s8], $0x5FFFF  }
0xb2: {  	[dreg:$0x1] =	wrdreg $0xFFFFFFFF  }
0xb3: {  	[dreg:$0x0] =	wrdreg $0x60  }
0xb4: {  	[dreg:$0x2] =	wrdreg s15  }
0xb5: {  	[dreg:$0x3] =	wrdreg s16  }
0xb6: {  	[dreg:$0x4] =	wrdreg s24  }
0xb7: {  	[dreg:$0x5] =	wrdreg $0x9  }
0xb8: {  	_ =	task.clear_ibuf [dreg:s8], $0x6FFFF;
	_ =	strace $0x90000049  }
0xb9: {  	s29 =	simm.s32 $0x9;
	_ =	strace $0x8000004B  }
0xba: {  	_ =	swait.ge [sflag:s29], $0x1  }
0xbb: {  	[sflag:s29] =	ssyncadd.s32 $0xFFFFFFFF  }
0xbc: {  	_ =	strace $0x9000004B  }
0xbd: {  	_ =	sfence  }
0xbe: {  	s30 =	sld [smem:$0x0];
	_ =	sdelay $0x2  }
0xbf: {  	s31 =	sshll.u32 s1, $0xD;
	s1 =	sshrl.u32 s1, $0x2  }
0xc0: {  	s3 =	sand.u32 $0x4000, s31;
	s1 =	sadd.s32 s1, s30  }
0xc1: {  	s0 =	sor.u32 s3, s0;
	s1 =	sshll.u32 s1, $0x11  }
0xc2: {  	s0 =	sor.u32 s1, s0  }
0xc3: {  	s0 =	sadd.s32 $0x8F2B, s0  }
0xc4: {  	[sflag:s0] =	ssyncadd.remote.s32 $0x1  }
0xc5: {  	_ =	sfence.sel $0xFFFF  }
0xc6: {  	[dreg:$0x0] =	wrdreg $0xFFFFFFFF;
	(pc) =	sbr.abs _section_cstart, $3  }
0xc7: {  	[dreg:$0x1] =	wrdreg $0xFFFFFFFF  }
0xc8: {  	_ =	task.clear_ibuf [dreg:s8], $0x2FFFF;
	_ =	strace $0x9FFFFFFF  }
0xc9: {  	(tm) =	ssettm $0x7FFFFFFF  }
tec
execute0_lowered:
.L_overlay_start_1:
0x0: {  	(tag) =	ssettag $0x1  }
0x1: {  	s2 =	rddreg [dreg:$0x0]  }
0x2: {  	s3 =	rddreg [dreg:$0x1]  }
0x3: {  	s0 =	stileid.u32;
	s1 =	srdreg.scid  }
0x4: {  	s8 =	rddreg [dreg:$0x2];
	s9 =	simm.s32 $0x1;
	s10 =	simm.s32 $0x3  }
0x5: {  	s13 =	simm.s32 $0x0;
	s4 =	sand.u32 $0x1, s1;
	s5 =	sshll.u32 s0, $0x1  }
0x6: {  	s12 =	simm.s32 $0x0;
	s1 =	rddreg [dreg:$0x3];
	s6 =	sor.u32 s5, s4  }
0x7: {  	_ =	strace $0x8000004A;
	s8 =	sadd.s32 $0xE3C00, s8;
	s4 =	smul.u32 $0x280, s6  }
0x8: {  	s5 =	simm.s32 $0x1;
	p0 =	slt.u32 s6, $0x9;
	s6 =	simm.s32 $0x5000  }
.Ltmp0:
0x9: {  	s6 =	simm.s32 @!p0 $0x0;
	s7 =	ssub.s32 $0x6400, s4;
	(pc) =	sbr.rel .LBB2_1-.Ltmp0, $4  }
0xa: {  	s9 =	simm.s32 @!p0 $0x0;
	p0 =	sne.s32 s7, s6;
	s7 =	simm.s32 $0x1  }
0xb: {  	[sflag:s5] =	ssyncpa.u1 $0x0;
	s6 =	simm.s32 $0x2;
	s7 =	simm.s32 @!p0 $0x0  }
0xc: {  	s11 =	smov.u32 s4;
	[sflag:s6] =	ssyncpa.u1 $0x0;
	s7 =	sadd.s32 s9, s7  }
0xd: {  	vm0 =	vmmov $0xffff;
	[sflag:s10] =	ssyncpa.u1 $0x0;
	s10 =	simm.s32 $0x0;
	s9 =	sadd.s32 $0x1, s7  }
.LBB2_4:
0xe: {  	v2 =	vand.u32 $0x3, v2;
	v3 =	vshrl.u32 v0, $0x8;
	v63 =	vshll.u32 v0, $0xC  }
0xf: {  	v2 =	vsel vm1, $0xFFFFFFFF, v2;
	v3 =	vand.u32 $0x3FF, v3;
	v0 =	vand.u32 $0x3F000, v63  }
0x10: {  	v3 =	vsel vm1, $0xFFFFFFFF, v3;
	v0 =	vsel vm1, $0xFFFFF000, v0;
	v4 =	vand.u32 $0xFFFFF000, v2  }
0x11: {  	v5 =	vand.u32 $0x7F, v3;
	v0 =	vadd.s32 v0, v4;
	v3 =	vshll.u32 v3, $0x2  }
0x12: {  	v2 =	vshll.u32 v2, $0x7;
	v3 =	vand.u32 $0xFFFFFE00, v3;
	v0 =	vor.u32 v5, v0  }
0x13: {  	v2 =	vand.u32 $0x180, v2;
	v0 =	vadd.s32 v3, v0  }
0x14: {  	v0 =	vor.u32 v2, v0;
	_ =	sdelay $0x1  }
0x15: {  	(ifvalue) =	ssetifvalue $0x7FFFFFFF;
	s15 =	sadd.s32 $0x10, s15  }
0x16: {  	[tilespmem:s15], [sflag:$0x1] =	stream.indirect_vreg.gather [hbm4b:s2+s10], $0x1, v1, vm0, $0x4038;
	[tilespmem:$0xA00] =	vst v63  }
0x17: {  	(ifvalue) =	ssetifvalue $0x7FFFFFFF;
	s15 =	sadd.s32 $0x10, s15  }
0x18: {  	[tilespmem:s15], [sflag:$0x1] =	stream.indirect_vreg.gather [hbm4b:s2+s10], $0x1, v0, vm0, $0x4038;
	[tilespmem:$0xA00] =	vst v63  }
0x19: {  	_ =	swait.ge [sflag:s5], $0x280  }
0x1a: {  	s30 =	sshrl.u32 s13, $0x3;
	[sflag:s5] =	ssyncset.done $0x0  }
0x1b: {  	s31 =	sand.u32 $0x7, s13;
	s15 =	sadd.s32 s8, s30;
	[sflag:s5] =	ssyncadd.s32 $0xFFFFFD80  }
0x1c: {  	[hbm4b:s15+s31] =	stream.linear.scatter [tilespmem:s14], [sflag:$0x3], $0x280, $0x38;
	[tilespmem:$0xA00] =	vst v63  }
.LBB2_5:
0x1d: {  	s15 =	sadd.s32 $0x5000, s11  }
0x1e: {  	p1 =	sgt.s32 s15, $0x63FF  }
0x1f: {  	s15 =	smov.u32 @p1 s4;
	p1 =	sne.s32 s12, s9  }
.Ltmp1:
0x20: {  	p0 =	slt.u32 s12, $0x2;
	(pc) =	sbr.rel @!p1 .LBB2_6-.Ltmp1, $4  }
0x21: {  	s14 =	simm.s32 @!p0 $0x3  }
0x22: {  	_ =	swait.ge @!p0 [sflag:s14], $0x280  }
0x23: {  	s16 =	sadd.s32 $0x1, s12;
	s13 =	smov.u32 s11;
	[sflag:s14] =	ssyncset.done @!p0 $0x0  }
0x24: {  	s12 =	smov.u32 s16;
	s11 =	smov.u32 s15;
	[sflag:s14] =	ssyncadd.s32 @!p0 $0xFFFFFD80  }
.LBB2_1:
0x25: {  	p0 =	sge.u32 s12, s7  }
0x26: {  	s14 =	sxor.u32 @!p0 $0x1, s12  }
0x27: {  	s14 =	smul.u32 @!p0 $0xA00, s14  }
0x28: {  	s31 =	sadd.s32 $0xFFFFFFFF, s12;
	s15 =	sshrl.u32 @!p0 s11, $0x3  }
0x29: {  	s16 =	sand.u32 @!p0 $0x7, s11;
	s15 =	sadd.s32 @!p0 s3, s15;
	s14 =	sshra.s32 @!p0 s14, $0x2  }
0x2a: {  	[tilespmem:s14], [sflag:$0x2] =	stream.linear.gather @!p0 [hbm4b:s15+s16], $0x280, $0x38;
	[tilespmem:$0xA00] =	vst v63  }
0x2b: {  	p0 =	sge.u32 s31, s7  }
.Ltmp2:
0x2c: {  	_ = 	snop;
	(pc) =	sbr.rel @p0 .LBB2_5-.Ltmp2, $1  }
0x2d: {  	_ =	sdelay $0x3  }
0x2e: {  	s14 =	sand.u32 $0x1, s12  }
0x2f: {  	_ =	swait.ge [sflag:s6], $0x280;
	p0 =	seq.s32 s14, $0x1;
	s14 =	simm.s32 $0x280  }
0x30: {  	[sflag:s6] =	ssyncset.done $0x0;
	s14 =	simm.s32 @!p0 $0x0  }
0x31: {  	[sflag:s6] =	ssyncadd.s32 $0xFFFFFD80;
	(ifvalue) =	ssetifvalue $0x7FFFFFFF;
	v0 =	vld.msk [tilespmem:s14+$0x0 ss:$0x1], $0xffff;
	_ =	sdelay $0x1  }
0x32: {  	s15 =	sadd.s32 $0x10, s14  }
0x33: {  	v3 =	vld.msk [tilespmem:s15+$0x0 ss:$0x1], $0xffff;
	_ =	sdelay $0x1  }
0x34: {  	vm1 =	veq.s32 v0, $0x80000000  }
0x35: {  	v1 =	vshrl.u32 v0, $0x6;
	v2 =	vshrl.u32 v0, $0x8;
	v0 =	vshll.u32 v0, $0xC  }
0x36: {  	v1 =	vand.u32 $0x3, v1;
	v2 =	vand.u32 $0x3FF, v2;
	v0 =	vand.u32 $0x3F000, v0  }
0x37: {  	v62 =	vshrl.u32 v3, $0x8;
	v1 =	vsel vm1, $0xFFFFFFFF, v1;
	v2 =	vsel vm1, $0xFFFFFFFF, v2  }
0x38: {  	v0 =	vsel vm1, $0xFFFFF000, v0;
	vm1 =	veq.s32 v3, $0x80000000;
	v4 =	vand.u32 $0xFFFFF000, v1  }
0x39: {  	v5 =	vand.u32 $0x7F, v2;
	v2 =	vshll.u32 v2, $0x2;
	v0 =	vadd.s32 v0, v4  }
0x3a: {  	v1 =	vshll.u32 v1, $0x7;
	v2 =	vand.u32 $0xFFFFFE00, v2;
	v0 =	vor.u32 v5, v0  }
0x3b: {  	v1 =	vand.u32 $0x180, v1;
	v0 =	vadd.s32 v2, v0;
	v2 =	vshrl.u32 v3, $0x6  }
0x3c: {  	s15 =	sadd.s32 $0x10, s15;
	v3 =	vshll.u32 v3, $0xC;
	v1 =	vor.u32 v1, v0;
	v2 =	vand.u32 $0x3, v2  }
0x3d: {  	v4 =	vand.u32 $0x3FF, v62;
	v0 =	vld.msk [tilespmem:s15+$0x0 ss:$0x1], $0xffff;
	v3 =	vand.u32 $0x3F000, v3;
	v2 =	vsel vm1, $0xFFFFFFFF, v2  }
0x3e: {  	v4 =	vsel vm1, $0xFFFFFFFF, v4;
	v3 =	vsel vm1, $0xFFFFF000, v3;
	v63 =	vand.u32 $0xFFFFF000, v2  }
0x3f: {  	v6 =	vand.u32 $0x7F, v4;
	v4 =	vshll.u32 v4, $0x2;
	v3 =	vadd.s32 v3, v63  }
0x40: {  	s14 =	sor.u32 $0x500, s14;
	(ifvalue) =	ssetifvalue $0x7FFFFFFF;
	v4 =	vand.u32 $0xFFFFFE00, v4;
	v2 =	vshll.u32 v2, $0x7;
	v3 =	vor.u32 v6, v3  }
0x41: {  	[tilespmem:s14], [sflag:$0x1] =	stream.indirect_vreg.gather [hbm4b:s2+s10], $0x1, v1, vm0, $0x4038;
	v1 =	vand.u32 $0x180, v2;
	v3 =	vadd.s32 v4, v3;
	[tilespmem:$0xA00] =	vst v63  }
0x42: {  	s16 =	simm.s32 $0x20;
	s17 =	sadd.s32 $0x10, s15;
	s15 =	smov.u32 s14;
	vm1 =	veq.s32 v0, $0x80000000;
	v2 =	vshrl.u32 v0, $0x6;
	v1 =	vor.u32 v1, v3  }
.LBB2_3:
0x43: {  	s16 =	sadd.s32 $0x10, s16;
	v2 =	vand.u32 $0x3, v2;
	v3 =	vshrl.u32 v0, $0x8;
	v4 =	vshll.u32 v0, $0xC;
	v0 =	vld.msk [tilespmem:s17+$0x0 ss:$0x1], $0xffff  }
0x44: {  	p0 =	slt.u32 s16, $0x270;
	v2 =	vsel vm1, $0xFFFFFFFF, v2;
	v3 =	vand.u32 $0x3FF, v3;
	v4 =	vand.u32 $0x3F000, v4  }
.Ltmp3:
0x45: {  	v3 =	vsel vm1, $0xFFFFFFFF, v3;
	v4 =	vsel vm1, $0xFFFFF000, v4;
	v5 =	vand.u32 $0xFFFFF000, v2;
	(pc) =	sbr.rel @p0 .LBB2_3-.Ltmp3, $4  }
0x46: {  	s15 =	sadd.s32 $0x10, s15;
	v6 =	vand.u32 $0x7F, v3;
	v4 =	vadd.s32 v4, v5;
	v3 =	vshll.u32 v3, $0x2;
	(ifvalue) =	ssetifvalue $0x7FFFFFFF  }
0x47: {  	v2 =	vshll.u32 v2, $0x7;
	v3 =	vand.u32 $0xFFFFFE00, v3;
	v4 =	vor.u32 v6, v4;
	[tilespmem:s15], [sflag:$0x1] =	stream.indirect_vreg.gather [hbm4b:s2+s10], $0x1, v1, vm0, $0x4038;
	[tilespmem:$0xA00] =	vst v63  }
0x48: {  	v1 =	vand.u32 $0x180, v2;
	v3 =	vadd.s32 v3, v4  }
0x49: {  	s17 =	sadd.s32 $0x10, s17;
	vm1 =	veq.s32 v0, $0x80000000;
	v2 =	vshrl.u32 v0, $0x6;
	v1 =	vor.u32 v1, v3  }
.Ltmp4:
0x4a: {  	_ = 	snop;
	(pc) =	sbr.rel .LBB2_4-.Ltmp4, $1  }
0x4b: {  	_ =	sdelay $0x3  }
.LBB2_6:
0x4c: {  	_ =	sfence.sel $0x180000  }
0x4d: {  	s2 =	simm.s32 $0x2;
	[bflag:$0x0] =	sbarrier.arrive $0xFFFF  }
0x4e: {  	s30 =	simm.s32 $0x3;
	[sflag:s2] =	ssyncpa.u1 $0x1  }
0x4f: {  	s31 =	simm.s32 $0x1;
	[sflag:s30] =	ssyncpa.u1 $0x1  }
0x50: {  	[sflag:s31] =	ssyncpa.u1 $0x1  }
0x51: {  	p0 =	sne.s32 s0, $0x0;
	_ =	strace $0x9000004A  }
0x52: {  	s0 =	sadd.s32 @!p0 $0x100000, s1;
	[bflag:$0x2] =	sbarrier.arrive $0xFFFF  }
0x53: {  	[sflag:s0] =	ssyncadd.tile.s32 @!p0 $0x1;
	_ =	shalt  }
.Lfunc_end2:
_tile_overlayer_lowered:
.L_overlay_start_2:
0x54: {  	(tag) =	ssettag $0x2  }
0x55: {  	s0 =	rddreg [dreg:$0x0];
	s2 =	stileid.u32  }
0x56: {  	s1 =	rddreg [dreg:$0x1];
	p0 =	sne.s32 s2, $0x0  }
0x57: {  	s3 =	rddreg [dreg:$0x2];
	[bflag:$0x3] =	sbarrier.arrive $0xFFFF;
	s2 =	simm.s32 @!p0 $0x1C01  }
0x58: {  	[timem:s3], [sflag:s2] =	dma.local @!p0 [hbm:s0], s1  }
0x59: {  	s0 =	simm.s32 @!p0 $0x1  }
0x5a: {  	_ =	swait.ge @!p0 [sflag:s0], s1  }
0x5b: {  	s1 =	ssub.s32 @!p0 $0x0, s1;
	[sflag:s0] =	ssyncset.done @!p0 $0x0  }
0x5c: {  	[sflag:s0] =	ssyncadd.s32 @!p0 s1  }
0x5d: {  	[bflag:$0x3] =	sbarrier.arrive $0xFFFF  }
0x5e: {  	_ =	shalt  }

// kernel: gather_offload_async_start
scs
__scs_entry_jumppad:
0x0: {  	(pc) =	sbr.rel $0x88, $3  }
0x1: {  	(tag) =	ssettag $0x0;
	lr =	simm.s32 $0x1  }
0x2: {  	[smem:$0x3F9C] =	sst lr;
	_ =	strace $0xD0000000  }
0x3: {  	_ = 	snop  }
0x4: {  	_ = 	snop  }
0x5: {  	_ = 	snop  }
0x6: {  	_ = 	snop  }
0x7: {  	_ = 	snop  }
__scs_overlays_trampoline_lowered:
0x8: {  	[smem:$0x3FAB] =	sst s0  }
0x9: {  	[smem:$0x3FAC] =	sst s1  }
0xa: {  	[smem:$0x3FAD] =	sst s2  }
0xb: {  	[smem:$0x3FAE] =	sst s3  }
0xc: {  	[smem:$0x3FAF] =	sst s4  }
0xd: {  	[smem:$0x3FB0] =	sst s5  }
0xe: {  	[smem:$0x3FB1] =	sst s6  }
0xf: {  	[smem:$0x3FB2] =	sst s7  }
0x10: {  	[smem:$0x3FB3] =	sst s8  }
0x11: {  	[smem:$0x3FB4] =	sst s9;
	s0 =	simm.s32 @!p0 $0x0  }
0x12: {  	s1 =	sld [smem:$0x3F9A];
	s0 =	simm.s32 @p0 $0x1  }
0x13: {  	[smem:$0x3FB5] =	sst s0;
	s0 =	simm.s32 @!p1 $0x0  }
0x14: {  	s2 =	sld [smem:$0x3F99];
	s0 =	simm.s32 @p1 $0x1  }
0x15: {  	[smem:$0x3FB6] =	sst s0;
	s0 =	simm.s32 @!p2 $0x0  }
0x16: {  	s3 =	sld [smem:$0x3FDB];
	s0 =	simm.s32 @p2 $0x1  }
0x17: {  	s4 =	simm.s32 $0x1BF5;
	[smem:$0x3FB8] =	sst s0  }
0x18: {  	s0 =	sld [smem:$0x3F9B];
	_ =	swait.ge [sflag:s4], $0x0  }
0x19: {  	s7 =	sld [smem:$0x3F9C]  }
0x1a: {  	s8 =	sadd.s32 $0xFFFFE003, lr  }
0x1b: {  	s9 =	sadd.s32 $0xFFFFFEF7, lr;
	s5 =	simm.s32 $0xFFFFFFFF;
	p2 =	slt.u32 s8, $0xFFFFF086  }
0x1c: {  	p1 =	slt.u32 s9, $0xF7A;
	s5 =	simm.s32 @!p2 $0x0  }
0x1d: {  	s5 =	simm.s32 @p1 $0x1;
	p0 =	seq.s32 s7, s2  }
0x1e: {  	s7 =	smul.u32 @!p0 $0xF7A, s2;
	p2 =	seq.s32 @!p0 s5, $0x0  }
0x1f: {  	s9 =	smul.u32 $0xF7A, s1;
	s8 =	simm.s32 @!p0 $0x1BF5;
	p2 =	por !p2, p0  }
0x20: {  	[sflag:s8] =	ssyncset.s32 @!p0 $0xFFFFF086;
	s6 =	sadd.s32 @!p0 s3, s7;
	s7 =	simm.s32 @!p0 $0x108  }
0x21: {  	s3 =	sadd.s32 s3, s9;
	s6 =	sadd.s32 @!p0 $0x88, s6;
	s7 =	simm.s32 @p2 $0x1082  }
0x22: {  	[simem:s7], [sflag:s8] =	dma.local @!p0 [hbm:s6], $0xF7A  }
0x23: {  	s9 =	sor.u32 $0xD0000000, s2;
	s6 =	simm.s32 $0x108;
	_ =	swait.ge @!p0 [sflag:s8], $0x0  }
0x24: {  	s3 =	sadd.s32 $0x88, s3;
	s6 =	simm.s32 @!p1 $0x1082;
	[sflag:s4] =	ssyncset.s32 $0xFFFFF086  }
0x25: {  	[simem:s6], [sflag:s4] =	dma.local [hbm:s3], $0xF7A  }
0x26: {  	[smem:$0x3F9C] =	sst s1;
	(tag) =	ssettag s2;
	_ =	strace s9  }
0x27: {  	s1 =	sld [smem:$0x3FAC]  }
0x28: {  	s2 =	sld [smem:$0x3FAD]  }
0x29: {  	s4 =	sld [smem:$0x3FAF]  }
0x2a: {  	p0 =	seq.s32 s5, $0x0;
	s5 =	sld [smem:$0x3FB0]  }
0x2b: {  	s6 =	sld [smem:$0x3FB1]  }
0x2c: {  	s7 =	sld [smem:$0x3FB2]  }
0x2d: {  	s3 =	simm.s32 $0x108;
	s8 =	sld [smem:$0x3FB3]  }
0x2e: {  	s3 =	simm.s32 @!p0 $0x1082;
	s9 =	sld [smem:$0x3FB4]  }
0x2f: {  	lr =	sadd.s32 s0, s3;
	s0 =	sld [smem:$0x3FAB]  }
0x30: {  	s3 =	sld [smem:$0x3FAE]  }
0x31: {  	[smem:$0x3FB7] =	sst s10  }
0x32: {  	s10 =	sld [smem:$0x3FB5];
	_ =	sdelay $0x3  }
0x33: {  	p0 =	seq.s32 s10, $0x1;
	s10 =	sld [smem:$0x3FB7];
	_ =	sdelay $0x3  }
0x34: {  	[smem:$0x3FB7] =	sst s10  }
0x35: {  	s10 =	sld [smem:$0x3FB6];
	_ =	sdelay $0x3  }
0x36: {  	p1 =	seq.s32 s10, $0x1;
	s10 =	sld [smem:$0x3FB7];
	_ =	sdelay $0x3  }
0x37: {  	[smem:$0x3FB7] =	sst s10  }
0x38: {  	s10 =	sld [smem:$0x3FB8]  }
0x39: {  	_ = 	snop;
	(pc) =	sbr.ind lr, $3  }
0x3a: {  	_ = 	snop  }
0x3b: {  	_ = 	snop  }
0x3c: {  	p2 =	seq.s32 s10, $0x1;
	s10 =	sld [smem:$0x3FB7]  }
0x3d: {  	_ =	shalt  }
0x3e: {  	_ =	shalt  }
0x3f: {  	_ =	shalt  }
0x40: {  	_ =	shalt  }
0x41: {  	_ =	shalt  }
0x42: {  	_ =	shalt  }
0x43: {  	_ =	shalt  }
0x44: {  	_ =	shalt  }
0x45: {  	_ =	shalt  }
0x46: {  	_ =	shalt  }
0x47: {  	_ =	shalt  }
0x48: {  	_ =	shalt  }
0x49: {  	_ =	shalt  }
0x4a: {  	_ =	shalt  }
0x4b: {  	_ =	shalt  }
0x4c: {  	_ =	shalt  }
0x4d: {  	_ =	shalt  }
0x4e: {  	_ =	shalt  }
0x4f: {  	_ =	shalt  }
0x50: {  	_ =	shalt  }
0x51: {  	_ =	shalt  }
0x52: {  	_ =	shalt  }
0x53: {  	_ =	shalt  }
0x54: {  	_ =	shalt  }
0x55: {  	_ =	shalt  }
0x56: {  	_ =	shalt  }
0x57: {  	_ =	shalt  }
0x58: {  	_ =	shalt  }
0x59: {  	_ =	shalt  }
0x5a: {  	_ =	shalt  }
0x5b: {  	_ =	shalt  }
0x5c: {  	_ =	shalt  }
0x5d: {  	_ =	shalt  }
0x5e: {  	_ =	shalt  }
0x5f: {  	_ =	shalt  }
0x60: {  	_ =	shalt  }
0x61: {  	_ =	shalt  }
0x62: {  	_ =	shalt  }
0x63: {  	_ =	shalt  }
0x64: {  	_ =	shalt  }
0x65: {  	_ =	shalt  }
0x66: {  	_ =	shalt  }
0x67: {  	_ =	shalt  }
0x68: {  	_ =	shalt  }
0x69: {  	_ =	shalt  }
0x6a: {  	_ =	shalt  }
0x6b: {  	_ =	shalt  }
0x6c: {  	_ =	shalt  }
0x6d: {  	_ =	shalt  }
0x6e: {  	_ =	shalt  }
0x6f: {  	_ =	shalt  }
0x70: {  	_ =	shalt  }
0x71: {  	_ =	shalt  }
0x72: {  	_ =	shalt  }
0x73: {  	_ =	shalt  }
0x74: {  	_ =	shalt  }
0x75: {  	_ =	shalt  }
0x76: {  	_ =	shalt  }
0x77: {  	_ =	shalt  }
0x78: {  	_ =	shalt  }
0x79: {  	_ =	shalt  }
0x7a: {  	_ =	shalt  }
0x7b: {  	_ =	shalt  }
0x7c: {  	_ =	shalt  }
0x7d: {  	_ =	shalt  }
0x7e: {  	_ =	shalt  }
0x7f: {  	_ =	shalt  }
0x80: {  	_ =	shalt  }
0x81: {  	_ =	shalt  }
0x82: {  	_ =	shalt  }
0x83: {  	_ =	shalt  }
0x84: {  	_ =	shalt  }
0x85: {  	_ =	shalt  }
0x86: {  	_ =	shalt  }
0x87: {  	_ =	shalt  }
.Lfunc_end0:
.L_simem_size_0:
called_computation_lowered:
.L_overlay_start_0:
0x88: {  	s2 =	sld [smem:$0x3FD9]  }
0x89: {  	s3 =	sld [smem:$0x3FFE];
	_ =	sdelay $0x1  }
0x8a: {  	s1 =	srdreg.scid  }
0x8b: {  	s0 =	sand.u32 $0x1, s1  }
0x8c: {  	s14 =	sshll.u32 s0, $0xA;
	s2 =	sadd.s32 s3, s2  }
0x8d: {  	s2 =	sadd.s32 s2, s14  }
0x8e: {  	[smem:$0x3FC3] =	sst s2  }
0x8f: {  	_ = 	snop  }
0x90: {  	s2 =	sld [smem:$0x3FD0];
	_ =	sdelay $0x2  }
0x91: {  	s15 =	simm.s32 $0xA;
	s4 =	simm.s32 $0x10  }
0x92: {  	[smem:s4], [sflag:s15] =	dma.local [hbm:s2], $0x1  }
0x93: {  	_ =	swait.eq [sflag:s15], $0x1  }
0x94: {  	[sflag:s15] =	ssyncset.done $0x0  }
0x95: {  	[sflag:s15] =	ssyncadd.s32 $0xFFFFFFFF  }
0x96: {  	s16 =	sld [smem:$0x12];
	(tm) =	ssettm $0x1  }
0x97: {  	s17 =	sld [smem:$0x3FFB];
	_ =	sdelay $0x3  }
0x98: {  	_ =	strace s17  }
0x99: {  	s3 =	sld [smem:$0x3FFC];
	_ =	sdelay $0x3  }
0x9a: {  	_ =	strace s3  }
0x9b: {  	s3 =	sld [smem:$0x3FFD];
	_ =	sdelay $0x3  }
0x9c: {  	_ =	strace s3  }
0x9d: {  	_ =	strace $0x8FFFFFFF  }
0x9e: {  	s18 =	sld [smem:$0x3FDB];
	_ =	sdelay $0x1  }
0x9f: {  	s19 =	simm.s32 $_scs_section_size  }
0xa0: {  	s5 =	simm.s32 $_size__tile_overlayer_lowered;
	s6 =	simm.s32 $_tile_overlayer_lowered  }
0xa1: {  	s22 =	simm.s32 $0x1BFF;
	s21 =	sshll.u32 s6, $0x1;
	s3 =	sadd.s32 s19, s18  }
0xa2: {  	s7 =	simm.s32 $0x0;
	s20 =	sshll.u32 s5, $0x1;
	s5 =	sadd.s32 s21, s3  }
0xa3: {  	[timem:s7], [sflag:s22] =	dma.local [hbm:s5], s20  }
0xa4: {  	_ =	swait.ge [sflag:s22], s20  }
0xa5: {  	s4 =	ssub.s32 $0x0, s20;
	[sflag:s22] =	ssyncset.done $0x0  }
0xa6: {  	[sflag:s22] =	ssyncadd.s32 s4;
	_ =	sdelay $0x1  }
0xa7: {  	s23 =	simm.s32 $0x1B8B  }
0xa8: {  	_ =	swait.ge [sflag:s23], $0x1  }
0xa9: {  	[sflag:s23] =	ssyncset.done $0x0  }
0xaa: {  	s25 =	simm.s32 $0x1B8E;
	s24 =	sld [smem:$0x3FFE];
	[sflag:s23] =	ssyncadd.s32 $0xFFFFFFFF  }
0xab: {  	s26 =	simm.s32 $execute0_lowered;
	[smem:$0x3FD2] =	sst s25  }
0xac: {  	s5 =	sshll.u32 s26, $0x1;
	_ =	strace $0x8000004C;
	[dreg:$0x1] =	wrdreg $0xFFFFFFFF  }
0xad: {  	s28 =	simm.s32 $_size_execute0_lowered;
	s3 =	sadd.s32 s3, s5;
	[dreg:$0x0] =	wrdreg $0x0  }
0xae: {  	s5 =	sshll.u32 s28, $0x1;
	[dreg:$0x2] =	wrdreg s3  }
0xaf: {  	[dreg:$0x3] =	wrdreg s5  }
0xb0: {  	[dreg:$0x4] =	wrdreg $0xC0  }
0xb1: {  	_ =	task [dreg:s7], $0x5FFFF  }
0xb2: {  	[dreg:$0x1] =	wrdreg $0xFFFFFFFF  }
0xb3: {  	[dreg:$0x0] =	wrdreg $0x60  }
0xb4: {  	[dreg:$0x2] =	wrdreg s24  }
0xb5: {  	[dreg:$0x3] =	wrdreg s16  }
0xb6: {  	[dreg:$0x4] =	wrdreg $0x9  }
0xb7: {  	_ =	task.clear_ibuf [dreg:s7], $0x5FFFF;
	_ =	strace $0x9000004C  }
0xb8: {  	s29 =	simm.s32 $0x9;
	_ =	strace $0x8000004E  }
0xb9: {  	_ =	swait.ge [sflag:s29], $0x1  }
0xba: {  	[sflag:s29] =	ssyncadd.s32 $0xFFFFFFFF  }
0xbb: {  	_ =	strace $0x9000004E  }
0xbc: {  	_ =	sfence  }
0xbd: {  	s30 =	sld [smem:$0x0];
	_ =	sdelay $0x2  }
0xbe: {  	s31 =	sshll.u32 s1, $0xD;
	s1 =	sshrl.u32 s1, $0x2  }
0xbf: {  	s3 =	sand.u32 $0x4000, s31;
	s1 =	sadd.s32 s1, s30  }
0xc0: {  	s0 =	sor.u32 s3, s0;
	s1 =	sshll.u32 s1, $0x11  }
0xc1: {  	s0 =	sor.u32 s1, s0  }
0xc2: {  	s0 =	sadd.s32 $0x8F2B, s0  }
0xc3: {  	[sflag:s0] =	ssyncadd.remote.s32 $0x1  }
0xc4: {  	_ =	sfence.sel $0xFFFF  }
0xc5: {  	[dreg:$0x0] =	wrdreg $0xFFFFFFFF;
	(pc) =	sbr.abs _section_cstart, $3  }
0xc6: {  	[dreg:$0x1] =	wrdreg $0xFFFFFFFF  }
0xc7: {  	_ =	task.clear_ibuf [dreg:s7], $0x2FFFF;
	_ =	strace $0x9FFFFFFF  }
0xc8: {  	(tm) =	ssettm $0x7FFFFFFF  }
0xc9: {  	_ =	shalt  }
tec
execute0_lowered:
.L_overlay_start_1:
0x0: {  	(tag) =	ssettag $0x1  }
0x1: {  	s8 =	rddreg [dreg:$0x0];
	s0 =	stileid.u32  }
0x2: {  	s1 =	srdreg.scid;
	s2 =	rddreg [dreg:$0x1]  }
0x3: {  	s5 =	simm.s32 $0x1;
	s9 =	simm.s32 $0x1;
	s10 =	simm.s32 $0x3  }
0x4: {  	s13 =	simm.s32 $0x0;
	s3 =	sand.u32 $0x1, s1;
	s4 =	sshll.u32 s0, $0x1  }
0x5: {  	s12 =	simm.s32 $0x0;
	s1 =	rddreg [dreg:$0x2];
	s6 =	sor.u32 s4, s3  }
0x6: {  	_ =	strace $0x8000004D;
	s3 =	sadd.s32 $0x2A00, s8;
	s4 =	smul.u32 $0x5140, s6  }
0x7: {  	[sflag:s5] =	ssyncpa.u1 $0x0;
	p0 =	slt.u32 s6, $0x5;
	s6 =	simm.s32 $0xA2800  }
.Ltmp0:
0x8: {  	s6 =	simm.s32 @!p0 $0x0;
	s7 =	ssub.s32 $0xB6D00, s4;
	(pc) =	sbr.rel .LBB2_1-.Ltmp0, $4  }
0x9: {  	s9 =	simm.s32 @!p0 $0x0;
	p0 =	sne.s32 s7, s6;
	s7 =	simm.s32 $0x1  }
0xa: {  	s8 =	sadd.s32 $0xE3A00, s8;
	s6 =	simm.s32 $0x2;
	s7 =	simm.s32 @!p0 $0x0  }
0xb: {  	s11 =	smov.u32 s4;
	[sflag:s6] =	ssyncpa.u1 $0x0;
	s7 =	sadd.s32 s9, s7  }
0xc: {  	vm0 =	vmmov $0xffff;
	[sflag:s10] =	ssyncpa.u1 $0x0;
	s10 =	simm.s32 $0x0;
	s9 =	sadd.s32 $0x1, s7  }
.LBB2_4:
0xd: {  	vm1 =	veq.s32 v1, $0x80000000;
	v3 =	vshrl.u32 v1, $0x6;
	v2 =	vand.u32 $0x1F80, v2  }
0xe: {  	v62 =	vand.u32 $0x7FE000, v1;
	v3 =	vand.u32 $0x7F, v3;
	v2 =	vsel vm1, $0xFFFFFF80, v2  }
0xf: {  	v1 =	vsel vm1, $0xFFFFE000, v62;
	v3 =	vsel vm1, $0xFFFFFFFF, v3;
	v4 =	vand.u32 $0xFFFFFC00, v2  }
0x10: {  	v1 =	vadd.s32 v1, v4;
	v63 =	vand.u32 $0xFFFFFC00, v3  }
0x11: {  	v2 =	vand.u32 $0x380, v2;
	v1 =	vadd.s32 v63, v1  }
0x12: {  	v3 =	vand.u32 $0x7F, v3;
	v1 =	vor.u32 v2, v1  }
0x13: {  	v1 =	vor.u32 v3, v1;
	_ =	sdelay $0x1  }
0x14: {  	(ifvalue) =	ssetifvalue $0x7FFFFFFF;
	s15 =	sadd.s32 $0x10, s15  }
0x15: {  	[tilespmem:s15], [sflag:$0x1] =	stream.indirect_vreg.gather [hbm4b:s3+s10], $0x1, v0, vm0, $0x4038;
	[tilespmem:$0x14500] =	vst v63  }
0x16: {  	(ifvalue) =	ssetifvalue $0x7FFFFFFF;
	s15 =	sadd.s32 $0x10, s15  }
0x17: {  	[tilespmem:s15], [sflag:$0x1] =	stream.indirect_vreg.gather [hbm4b:s3+s10], $0x1, v1, vm0, $0x4038;
	[tilespmem:$0x14500] =	vst v63  }
0x18: {  	_ =	swait.ge [sflag:s5], $0x5140  }
0x19: {  	s30 =	sshrl.u32 s13, $0x3;
	[sflag:s5] =	ssyncset.done $0x0  }
0x1a: {  	s31 =	sand.u32 $0x7, s13;
	s15 =	sadd.s32 s8, s30;
	[sflag:s5] =	ssyncadd.s32 $0xFFFFAEC0  }
0x1b: {  	[hbm4b:s15+s31] =	stream.linear.scatter [tilespmem:s14], [sflag:$0x3], $0x5140, $0x38;
	[tilespmem:$0x14500] =	vst v63  }
.LBB2_5:
0x1c: {  	s15 =	sadd.s32 $0xA2800, s11  }
0x1d: {  	p1 =	sgt.s32 s15, $0xB6CFF  }
0x1e: {  	s15 =	smov.u32 @p1 s4;
	p1 =	sne.s32 s12, s9  }
.Ltmp1:
0x1f: {  	p0 =	slt.u32 s12, $0x2;
	(pc) =	sbr.rel @!p1 .LBB2_6-.Ltmp1, $4  }
0x20: {  	s14 =	simm.s32 @!p0 $0x3  }
0x21: {  	_ =	swait.ge @!p0 [sflag:s14], $0x5140  }
0x22: {  	s16 =	sadd.s32 $0x1, s12;
	s13 =	smov.u32 s11;
	[sflag:s14] =	ssyncset.done @!p0 $0x0  }
0x23: {  	s12 =	smov.u32 s16;
	s11 =	smov.u32 s15;
	[sflag:s14] =	ssyncadd.s32 @!p0 $0xFFFFAEC0  }
.LBB2_1:
0x24: {  	p0 =	sge.u32 s12, s7  }
0x25: {  	s14 =	sxor.u32 @!p0 $0x1, s12  }
0x26: {  	s14 =	smul.u32 @!p0 $0x14500, s14  }
0x27: {  	s31 =	sadd.s32 $0xFFFFFFFF, s12;
	s15 =	sshrl.u32 @!p0 s11, $0x3  }
0x28: {  	s16 =	sand.u32 @!p0 $0x7, s11;
	s15 =	sadd.s32 @!p0 s2, s15;
	s14 =	sshra.s32 @!p0 s14, $0x2  }
0x29: {  	[tilespmem:s14], [sflag:$0x2] =	stream.linear.gather @!p0 [hbm4b:s15+s16], $0x5140, $0x38;
	[tilespmem:$0x14500] =	vst v63  }
0x2a: {  	p0 =	sge.u32 s31, s7  }
.Ltmp2:
0x2b: {  	_ = 	snop;
	(pc) =	sbr.rel @p0 .LBB2_5-.Ltmp2, $1  }
0x2c: {  	_ =	sdelay $0x3  }
0x2d: {  	s14 =	sand.u32 $0x1, s12  }
0x2e: {  	_ =	swait.ge [sflag:s6], $0x5140;
	p0 =	seq.s32 s14, $0x1;
	s14 =	simm.s32 $0x5140  }
0x2f: {  	[sflag:s6] =	ssyncset.done $0x0;
	s14 =	simm.s32 @!p0 $0x0  }
0x30: {  	[sflag:s6] =	ssyncadd.s32 $0xFFFFAEC0;
	(ifvalue) =	ssetifvalue $0x7FFFFFFF;
	v0 =	vld.msk [tilespmem:s14+$0x0 ss:$0x1], $0xffff;
	_ =	sdelay $0x3  }
0x31: {  	s15 =	sadd.s32 $0x10, s14  }
0x32: {  	v3 =	vld.msk [tilespmem:s15+$0x0 ss:$0x1], $0xffff;
	v1 =	vshll.u32 v0, $0x7  }
0x33: {  	vm1 =	veq.s32 v0, $0x80000000;
	v2 =	vshrl.u32 v0, $0x6;
	v1 =	vand.u32 $0x1F80, v1  }
0x34: {  	v0 =	vand.u32 $0x7FE000, v0;
	v2 =	vand.u32 $0x7F, v2;
	v1 =	vsel vm1, $0xFFFFFF80, v1  }
0x35: {  	v0 =	vsel vm1, $0xFFFFE000, v0;
	v2 =	vsel vm1, $0xFFFFFFFF, v2;
	v4 =	vand.u32 $0xFFFFFC00, v1  }
0x36: {  	v61 =	vand.u32 $0xFFFFFC00, v2;
	v0 =	vadd.s32 v0, v4  }
0x37: {  	vm1 =	veq.s32 v3, $0x80000000;
	v1 =	vand.u32 $0x380, v1;
	v0 =	vadd.s32 v61, v0  }
0x38: {  	v2 =	vand.u32 $0x7F, v2;
	v0 =	vor.u32 v1, v0;
	v1 =	vshll.u32 v3, $0x7  }
0x39: {  	s15 =	sadd.s32 $0x10, s15;
	v0 =	vor.u32 v2, v0;
	v2 =	vshrl.u32 v3, $0x6;
	v62 =	vand.u32 $0x1F80, v1  }
0x3a: {  	v1 =	vld.msk [tilespmem:s15+$0x0 ss:$0x1], $0xffff;
	v3 =	vand.u32 $0x7FE000, v3;
	v2 =	vand.u32 $0x7F, v2;
	v4 =	vsel vm1, $0xFFFFFF80, v62  }
0x3b: {  	v3 =	vsel vm1, $0xFFFFE000, v3;
	v2 =	vsel vm1, $0xFFFFFFFF, v2;
	v5 =	vand.u32 $0xFFFFFC00, v4  }
0x3c: {  	v3 =	vadd.s32 v3, v5;
	v63 =	vand.u32 $0xFFFFFC00, v2  }
0x3d: {  	s14 =	sor.u32 $0xA280, s14;
	(ifvalue) =	ssetifvalue $0x7FFFFFFF;
	v4 =	vand.u32 $0x380, v4;
	v3 =	vadd.s32 v63, v3  }
0x3e: {  	[tilespmem:s14], [sflag:$0x1] =	stream.indirect_vreg.gather [hbm4b:s3+s10], $0x1, v0, vm0, $0x4038;
	v0 =	vand.u32 $0x7F, v2;
	v3 =	vor.u32 v4, v3;
	[tilespmem:$0x14500] =	vst v63  }
0x3f: {  	s16 =	simm.s32 $0x20;
	s17 =	sadd.s32 $0x10, s15;
	s15 =	smov.u32 s14;
	v2 =	vshll.u32 v1, $0x7;
	v0 =	vor.u32 v0, v3  }
.LBB2_3:
0x40: {  	v3 =	vld.msk [tilespmem:s17+$0x0 ss:$0x1], $0xffff;
	s16 =	sadd.s32 $0x10, s16;
	vm1 =	veq.s32 v1, $0x80000000;
	v4 =	vshrl.u32 v1, $0x6;
	v2 =	vand.u32 $0x1F80, v2  }
0x41: {  	v1 =	vand.u32 $0x7FE000, v1;
	p0 =	slt.u32 s16, $0x5130;
	v4 =	vand.u32 $0x7F, v4;
	v2 =	vsel vm1, $0xFFFFFF80, v2  }
.Ltmp3:
0x42: {  	v1 =	vsel vm1, $0xFFFFE000, v1;
	v4 =	vsel vm1, $0xFFFFFFFF, v4;
	v5 =	vand.u32 $0xFFFFFC00, v2;
	(pc) =	sbr.rel @p0 .LBB2_3-.Ltmp3, $4  }
0x43: {  	s15 =	sadd.s32 $0x10, s15;
	v1 =	vadd.s32 v1, v5;
	v5 =	vand.u32 $0xFFFFFC00, v4;
	(ifvalue) =	ssetifvalue $0x7FFFFFFF  }
0x44: {  	v2 =	vand.u32 $0x380, v2;
	v5 =	vadd.s32 v5, v1;
	[tilespmem:s15], [sflag:$0x1] =	stream.indirect_vreg.gather [hbm4b:s3+s10], $0x1, v0, vm0, $0x4038;
	[tilespmem:$0x14500] =	vst v63  }
0x45: {  	v0 =	vand.u32 $0x7F, v4;
	v4 =	vor.u32 v2, v5  }
0x46: {  	s17 =	sadd.s32 $0x10, s17;
	v2 =	vshll.u32 v3, $0x7;
	v0 =	vor.u32 v0, v4;
	v1 =	vmov v3  }
.Ltmp4:
0x47: {  	_ = 	snop;
	(pc) =	sbr.rel .LBB2_4-.Ltmp4, $1  }
0x48: {  	_ =	sdelay $0x3  }
.LBB2_6:
0x49: {  	_ =	sfence.sel $0x180000  }
0x4a: {  	s2 =	simm.s32 $0x2;
	[bflag:$0x0] =	sbarrier.arrive $0xFFFF  }
0x4b: {  	s30 =	simm.s32 $0x3;
	[sflag:s2] =	ssyncpa.u1 $0x1  }
0x4c: {  	s31 =	simm.s32 $0x1;
	[sflag:s30] =	ssyncpa.u1 $0x1  }
0x4d: {  	[sflag:s31] =	ssyncpa.u1 $0x1  }
0x4e: {  	p0 =	sne.s32 s0, $0x0;
	_ =	strace $0x9000004D  }
0x4f: {  	s0 =	sadd.s32 @!p0 $0x100000, s1;
	[bflag:$0x2] =	sbarrier.arrive $0xFFFF  }
0x50: {  	[sflag:s0] =	ssyncadd.tile.s32 @!p0 $0x1;
	_ =	shalt  }
.Lfunc_end2:
_tile_overlayer_lowered:
.L_overlay_start_2:
0x51: {  	(tag) =	ssettag $0x2  }
0x52: {  	s0 =	rddreg [dreg:$0x0];
	s2 =	stileid.u32  }
0x53: {  	s1 =	rddreg [dreg:$0x1];
	p0 =	sne.s32 s2, $0x0  }
0x54: {  	s3 =	rddreg [dreg:$0x2];
	[bflag:$0x3] =	sbarrier.arrive $0xFFFF;
	s2 =	simm.s32 @!p0 $0x1C01  }
0x55: {  	[timem:s3], [sflag:s2] =	dma.local @!p0 [hbm:s0], s1  }
0x56: {  	s0 =	simm.s32 @!p0 $0x1  }
0x57: {  	_ =	swait.ge @!p0 [sflag:s0], s1  }
0x58: {  	s1 =	ssub.s32 @!p0 $0x0, s1;
	[sflag:s0] =	ssyncset.done @!p0 $0x0  }
0x59: {  	[sflag:s0] =	ssyncadd.s32 @!p0 s1  }
0x5a: {  	[bflag:$0x3] =	sbarrier.arrive $0xFFFF  }
0x5b: {  	_ =	shalt  }

</sc_bundles>
